<compile_context>
chip_gen: v7x
topology: tpu7x:2x2x1
jax: 0.10.2.dev20260603
libtpu: 0.0.44.dev20260713+nightly
codegen_flags: <defaults>
</compile_context>

<pallas_src>
import functools

import jax
import jax.numpy as jnp
from jax import lax
from jax.experimental import pallas as pl
from jax.experimental.pallas import tpu as pltpu
from jax.experimental.pallas import tpu_sc as plsc

N_NODES = 10000
N_EDGES = 320000
D_IN = 128
D_OUT = 128

NC = 2
NS = 16
NW = NC * NS
CHUNK = 128
NCHUNKS = N_EDGES // CHUNK
NCT = (NCHUNKS + NW - 1) // NW
N_PAD = 10240
ROWS_PER_TILE = N_PAD // NS
DEG_W = 16


def _sc_aggregate(x, eflat, zer):
  mesh = plsc.VectorSubcoreMesh(core_axis_name="c", subcore_axis_name="s")

  @functools.partial(
      pl.kernel,
      mesh=mesh,
      out_type=jax.ShapeDtypeStruct((NC, N_PAD, D_IN), jnp.float32),
      scratch_types=[
          pltpu.VMEM((CHUNK,), jnp.int32),
          pltpu.VMEM((CHUNK,), jnp.int32),
          pltpu.VMEM((CHUNK,), jnp.int32),
          pltpu.VMEM((CHUNK,), jnp.int32),
          pltpu.VMEM((CHUNK,), jnp.int32),
          pltpu.VMEM((CHUNK,), jnp.int32),
          pltpu.VMEM((CHUNK,), jnp.int32),
          pltpu.VMEM((CHUNK,), jnp.int32),
          pltpu.VMEM((CHUNK, D_IN), jnp.float32),
          pltpu.VMEM((CHUNK, D_IN), jnp.float32),
          pltpu.VMEM((64, D_IN), jnp.float32),
          pltpu.VMEM_SHARED((N_PAD, D_IN), jnp.float32),
          pltpu.SemaphoreType.DMA,
          pltpu.SemaphoreType.DMA,
          pltpu.SemaphoreType.DMA,
          pltpu.SemaphoreType.DMA,
          pltpu.SemaphoreType.DMA,
          pltpu.SemaphoreType.DMA,
          pltpu.SemaphoreType.DMA,
          pltpu.SemaphoreType.DMA,
      ],
  )
  def body(x_hbm, e_hbm, zer_hbm, out_hbm, s0, s1, s2, s3,
           d0, d1, d2, d3, rows0, rows1, zbuf, acc,
           is0, is1, is2, is3, gs0, gs1, ss0, ss1):
    c = lax.axis_index("c")
    s = lax.axis_index("s")
    wid = s * NC + c

    sbufs = (s0, s1, s2, s3)
    dbufs = (d0, d1, d2, d3)
    isems = (is0, is1, is2, is3)
    rbufs = (rows0, rows1)
    gsems = (gs0, gs1)
    ssems = (ss0, ss1)

    pltpu.sync_copy(zer_hbm, zbuf)

    def zero_acc(i, carry):
      pltpu.sync_copy(zbuf, acc.at[pl.ds(s * ROWS_PER_TILE + i * 64, 64)])
      return carry

    lax.fori_loop(0, ROWS_PER_TILE // 64, zero_acc, 0)
    plsc.subcore_barrier()

    def cid_of(j):
      return j * NW + wid

    def start_idx(j, ib):
      off = jnp.minimum(cid_of(j), NCHUNKS - 1) * CHUNK
      pltpu.async_copy(e_hbm.at[pl.ds(off, CHUNK)], sbufs[ib], isems[ib])
      pltpu.async_copy(e_hbm.at[pl.ds(N_EDGES + off, CHUNK)], dbufs[ib],
                       isems[ib])

    def wait_idx(ib):
      pltpu.make_async_copy(e_hbm.at[pl.ds(0, CHUNK)], sbufs[ib],
                            isems[ib]).wait()
      pltpu.make_async_copy(e_hbm.at[pl.ds(0, CHUNK)], dbufs[ib],
                            isems[ib]).wait()

    def start_gather(ib, rb):
      pltpu.async_copy(x_hbm.at[sbufs[ib]], rbufs[rb], gsems[rb])

    def wait_gather(rb):
      pltpu.make_async_copy(x_hbm.at[pl.ds(0, CHUNK)], rbufs[rb],
                            gsems[rb]).wait()

    def start_scatter(ib, rb):
      pltpu.async_copy(rbufs[rb], acc.at[dbufs[ib]], ssems[rb], add=True)

    def wait_scatter(rb):
      pltpu.make_async_copy(rbufs[rb], acc.at[pl.ds(0, CHUNK)],
                            ssems[rb]).wait()

    pltpu.sync_copy(e_hbm.at[pl.ds(wid * CHUNK, CHUNK)], s0)
    pltpu.sync_copy(e_hbm.at[pl.ds(N_EDGES + wid * CHUNK, CHUNK)], d0)
    start_gather(0, 0)
    start_idx(1, 1)

    def quad(p, carry):
      j0 = 4 * p
      for b in range(4):
        j = j0 + b
        ib = b
        rb = b % 2

        @pl.when(j < NCT)
        def _():
          @pl.when(j + 1 < NCT)
          def _():
            wait_idx((ib + 1) % 4)

            @pl.when(j >= 1)
            def _():
              wait_scatter(1 - rb)

            start_gather((ib + 1) % 4, 1 - rb)

          @pl.when(j + 2 < NCT)
          def _():
            start_idx(j + 2, (ib + 2) % 4)

          wait_gather(rb)

          @pl.when(cid_of(j) < NCHUNKS)
          def _():
            start_scatter(ib, rb)

      return carry

    lax.fori_loop(0, (NCT + 3) // 4, quad, 0)
    wait_scatter((NCT - 2) % 2)

    @pl.when(cid_of(NCT - 1) < NCHUNKS)
    def _():
      wait_scatter((NCT - 1) % 2)

    plsc.subcore_barrier()

    def out_step(i, carry):
      r0 = s * ROWS_PER_TILE + i * CHUNK
      pltpu.sync_copy(acc.at[pl.ds(r0, CHUNK)], rows0)
      pltpu.sync_copy(rows0, out_hbm.at[c, pl.ds(r0, CHUNK)])
      return carry

    lax.fori_loop(0, ROWS_PER_TILE // CHUNK, out_step, 0)

  return body(x, eflat, zer)


def _sc_degree(eflat):
  mesh = plsc.VectorSubcoreMesh(core_axis_name="c", subcore_axis_name="s")

  @functools.partial(
      pl.kernel,
      mesh=mesh,
      compiler_params=pltpu.CompilerParams(use_tc_tiling_on_sc=False),
      out_type=jax.ShapeDtypeStruct((NC, N_PAD, DEG_W), jnp.float32),
      scratch_types=[
          pltpu.VMEM((CHUNK,), jnp.int32),
          pltpu.VMEM((CHUNK,), jnp.int32),
          pltpu.VMEM((CHUNK,), jnp.int32),
          pltpu.VMEM((CHUNK,), jnp.int32),
          pltpu.VMEM((CHUNK, DEG_W), jnp.float32),
          pltpu.VMEM((CHUNK, DEG_W), jnp.float32),
          pltpu.VMEM_SHARED((N_PAD, DEG_W), jnp.float32),
          pltpu.SemaphoreType.DMA,
          pltpu.SemaphoreType.DMA,
          pltpu.SemaphoreType.DMA,
          pltpu.SemaphoreType.DMA,
          pltpu.SemaphoreType.DMA,
          pltpu.SemaphoreType.DMA,
          pltpu.SemaphoreType.DMA,
          pltpu.SemaphoreType.DMA,
      ],
  )
  def body(e_hbm, out_hbm, d0, d1, d2, d3, ones, zbuf, dacc,
           is0, is1, is2, is3, ss0, ss1, ss2, ss3):
    c = lax.axis_index("c")
    s = lax.axis_index("s")
    wid = s * NC + c

    dbufs = (d0, d1, d2, d3)
    isems = (is0, is1, is2, is3)
    ssems = (ss0, ss1, ss2, ss3)

    def fill(r, carry):
      ones[r, pl.ds(0, 16)] = jnp.ones((16,), jnp.float32)
      zbuf[r, pl.ds(0, 16)] = jnp.zeros((16,), jnp.float32)
      return carry

    lax.fori_loop(0, CHUNK, fill, 0)

    def zero_acc(i, carry):
      pltpu.sync_copy(zbuf, dacc.at[pl.ds(s * ROWS_PER_TILE + i * CHUNK,
                                          CHUNK)])
      return carry

    lax.fori_loop(0, ROWS_PER_TILE // CHUNK, zero_acc, 0)
    plsc.subcore_barrier()

    def cid_of(j):
      return j * NW + wid

    def start_idx(j, ib):
      off = jnp.minimum(cid_of(j), NCHUNKS - 1) * CHUNK
      pltpu.async_copy(e_hbm.at[pl.ds(N_EDGES + off, CHUNK)], dbufs[ib],
                       isems[ib])

    def wait_idx(ib):
      pltpu.make_async_copy(e_hbm.at[pl.ds(0, CHUNK)], dbufs[ib],
                            isems[ib]).wait()

    def wait_scatter(k):
      pltpu.make_async_copy(ones, dacc.at[pl.ds(0, CHUNK)], ssems[k]).wait()

    pltpu.sync_copy(e_hbm.at[pl.ds(N_EDGES + wid * CHUNK, CHUNK)], d0)
    start_idx(1, 1)

    def quad(p, carry):
      j0 = 4 * p
      for b in range(4):
        j = j0 + b
        ib = b

        @pl.when(j < NCT)
        def _():
          @pl.when(j >= 1)
          def _():
            wait_idx(ib)

          @pl.when(cid_of(j) < NCHUNKS)
          def _():
            pltpu.async_copy(ones, dacc.at[dbufs[ib]], ssems[ib], add=True)

          @pl.when(j + 2 < NCT)
          def _():
            @pl.when(j >= 2)
            def _():
              wait_scatter((ib + 2) % 4)

            start_idx(j + 2, (ib + 2) % 4)

      return carry

    lax.fori_loop(0, (NCT + 3) // 4, quad, 0)
    wait_scatter((NCT - 4) % 4)
    wait_scatter((NCT - 3) % 4)
    wait_scatter((NCT - 2) % 4)

    @pl.when(cid_of(NCT - 1) < NCHUNKS)
    def _():
      wait_scatter((NCT - 1) % 4)

    plsc.subcore_barrier()

    def out_step(i, carry):
      r0 = s * ROWS_PER_TILE + i * CHUNK
      pltpu.sync_copy(dacc.at[pl.ds(r0, CHUNK)], zbuf)
      pltpu.sync_copy(zbuf, out_hbm.at[c, pl.ds(r0, CHUNK)])
      return carry

    lax.fori_loop(0, ROWS_PER_TILE // CHUNK, out_step, 0)

  return body(eflat)


BLK = 1000


def _combine(parts, degp, x, w_l_t, b_l_row, w_r_t):

  def body(p_ref, dp_ref, x_ref, wl_ref, bl_ref, wr_ref, o_ref):
    acc = p_ref[0] + p_ref[1]
    deg = dp_ref[0, :, 0:1] + dp_ref[1, :, 0:1]
    o_ref[...] = (
        jnp.dot(acc, wl_ref[...], preferred_element_type=jnp.float32,
                precision=lax.Precision.HIGHEST)
        + deg * bl_ref[...]
        + jnp.dot(x_ref[...], wr_ref[...], preferred_element_type=jnp.float32,
                  precision=lax.Precision.HIGHEST))

  return pl.pallas_call(
      body,
      grid=(N_NODES // BLK,),
      in_specs=[
          pl.BlockSpec((NC, BLK, D_IN), lambda i: (0, i, 0)),
          pl.BlockSpec((NC, BLK, DEG_W), lambda i: (0, i, 0)),
          pl.BlockSpec((BLK, D_IN), lambda i: (i, 0)),
          pl.BlockSpec((D_IN, D_OUT), lambda i: (0, 0)),
          pl.BlockSpec((1, D_OUT), lambda i: (0, 0)),
          pl.BlockSpec((D_IN, D_OUT), lambda i: (0, 0)),
      ],
      out_specs=pl.BlockSpec((BLK, D_OUT), lambda i: (i, 0)),
      out_shape=jax.ShapeDtypeStruct((N_NODES, D_OUT), jnp.float32),
  )(parts, degp, x, w_l_t, b_l_row, w_r_t)


def kernel(x, edge_index, W_l, b_l, W_r):
  eflat = edge_index.astype(jnp.int32).reshape(2 * N_EDGES)
  zer = jnp.zeros((64, D_IN), jnp.float32)
  parts = _sc_aggregate(x, eflat, zer)
  degp = _sc_degree(eflat)
  return _combine(parts, degp, x, W_l.T, b_l[None, :], W_r.T)

# --- scband reference (transcript-rebuilt; emitter-appended) ---
"""Pipeline reference for scband-mklsageinference-26087631356381 (READ-ONLY COPY).

The authoritative reference and input builder live on the scoring server;
editing this copy changes nothing except your own understanding.
"""

import jax, jax.numpy as jnp
import numpy as np

N_NODES = 10000
N_EDGES = 320000
D_IN = 128
D_OUT = 128


def setup_inputs(seed: int = 0) -> dict:
    key = jax.random.key(seed)
    k_x, k_e, k_wl, k_bl, k_wr = jax.random.split(key, 5)
    x = jax.random.normal(k_x, (N_NODES, D_IN), dtype=jnp.float32)
    edge_index = jax.random.randint(k_e, (2, N_EDGES), 0, N_NODES, dtype=jnp.int64)
    scale = 1.0 / np.sqrt(D_IN)
    W_l = jax.random.uniform(k_wl, (D_OUT, D_IN), dtype=jnp.float32, minval=-scale, maxval=scale)
    b_l = jax.random.uniform(k_bl, (D_OUT,), dtype=jnp.float32, minval=-scale, maxval=scale)
    W_r = jax.random.uniform(k_wr, (D_OUT, D_IN), dtype=jnp.float32, minval=-scale, maxval=scale)
    return {"x": x, "edge_index": edge_index, "W_l": W_l, "b_l": b_l, "W_r": W_r}


def reference(x, edge_index, W_l, b_l, W_r):
    # x_l = self.lin_l(x)
    x_l = x @ W_l.T + b_l
    # self.a.matmul(x_l, self.y): sparse adjacency SpMM -> neighbor sum aggregation
    src = edge_index[0]
    dst = edge_index[1]
    y = jax.ops.segment_sum(x_l[src], dst, num_segments=N_NODES)
    # out_r = self.lin_r(x) (no bias)
    out_r = x @ W_r.T
    out = y + out_r
    return out

if __name__ == "__main__":
    import jax
    _d = setup_inputs()
    print(jax.jit(kernel)(*tuple(_d.values())))

</pallas_src>

<mosaic_0001>
#map = affine_map<(d0, d1) -> (0, 0)>
#map1 = affine_map<(d0, d1) -> (0)>
#map2 = affine_map<(d0, d1) -> (0, 0, 0)>
module attributes {stable_mosaic.version = 14 : i64} {
  func.func @body(%arg0: i32, %arg1: i32, %arg2: memref<10000x128xf32, #tpu.memory_space<hbm>>, %arg3: memref<640000xi32, #tpu.memory_space<hbm>>, %arg4: memref<64x128xf32, #tpu.memory_space<hbm>>, %arg5: memref<2x10240x128xf32, #tpu.memory_space<hbm>>, %arg6: memref<128xi32, #tpu.memory_space<vmem>>, %arg7: memref<128xi32, #tpu.memory_space<vmem>>, %arg8: memref<128xi32, #tpu.memory_space<vmem>>, %arg9: memref<128xi32, #tpu.memory_space<vmem>>, %arg10: memref<128xi32, #tpu.memory_space<vmem>>, %arg11: memref<128xi32, #tpu.memory_space<vmem>>, %arg12: memref<128xi32, #tpu.memory_space<vmem>>, %arg13: memref<128xi32, #tpu.memory_space<vmem>>, %arg14: memref<128x128xf32, #tpu.memory_space<vmem>>, %arg15: memref<128x128xf32, #tpu.memory_space<vmem>>, %arg16: memref<64x128xf32, #tpu.memory_space<vmem>>, %arg17: memref<10240x128xf32, #tpu.memory_space<vmem_shared>>, %arg18: memref<!tpu.dma_semaphore, #tpu.memory_space<semaphore_mem>>, %arg19: memref<!tpu.dma_semaphore, #tpu.memory_space<semaphore_mem>>, %arg20: memref<!tpu.dma_semaphore, #tpu.memory_space<semaphore_mem>>, %arg21: memref<!tpu.dma_semaphore, #tpu.memory_space<semaphore_mem>>, %arg22: memref<!tpu.dma_semaphore, #tpu.memory_space<semaphore_mem>>, %arg23: memref<!tpu.dma_semaphore, #tpu.memory_space<semaphore_mem>>, %arg24: memref<!tpu.dma_semaphore, #tpu.memory_space<semaphore_mem>>, %arg25: memref<!tpu.dma_semaphore, #tpu.memory_space<semaphore_mem>>) attributes {dimension_semantics = [#tpu.dimension_semantics<core_parallel>, #tpu.dimension_semantics<subcore_parallel>], iteration_bounds = array<i64: 2, 16>, scalar_prefetch = 0 : i64, scratch_operands = 20 : i64, tpu.core_type = #tpu.core_type<sc_vector_subcore>, window_params = [{transform_indices = #map}, {transform_indices = #map1}, {transform_indices = #map}, {transform_indices = #map2}]} {
    %mul3A = arith.constant 2 : i32
    %mul3A_0 = arith.muli %arg1, %mul3A : i32
    %add3A = arith.addi %mul3A_0, %arg0 : i32
    "tpu.region"() ({
      %run_scoped3A = tpu.sem_alloc : memref<!tpu.dma_semaphore, #tpu.memory_space<semaphore_mem>>
      tpu.enqueue_dma source(%arg4 : memref<64x128xf32, #tpu.memory_space<hbm>>) target(%arg16 : memref<64x128xf32, #tpu.memory_space<vmem>>) target_semaphore(%run_scoped3A : memref<!tpu.dma_semaphore, #tpu.memory_space<semaphore_mem>>)
      tpu.wait_dma2 semaphore(%run_scoped3A : memref<!tpu.dma_semaphore, #tpu.memory_space<semaphore_mem>>) src(%arg4 : memref<64x128xf32, #tpu.memory_space<hbm>>) dst(%arg16 : memref<64x128xf32, #tpu.memory_space<vmem>>)
      tpu.yield
    }) : () -> ()
    %scan3A = arith.constant 0 : i32
    %scan3A_1 = arith.constant 0 : i32
    %scan3A_2 = arith.constant 10 : i32
    %scan3A_3 = arith.addi %scan3A_1, %scan3A_2 : i32
    %scan3A_4 = arith.constant 1 : i32
    scf.for %scan3A_47 = %scan3A_1 to %scan3A_3 step %scan3A_4  : i32 {
      %mul3A_48 = arith.constant 640 : i32
      %mul3A_49 = arith.muli %arg1, %mul3A_48 : i32
      %mul3A_50 = arith.constant 64 : i32
      %mul3A_51 = arith.muli %scan3A_47, %mul3A_50 : i32
      %add3A_52 = arith.addi %mul3A_49, %mul3A_51 : i32
      "tpu.region"() ({
        %run_scoped3A = tpu.sem_alloc : memref<!tpu.dma_semaphore, #tpu.memory_space<semaphore_mem>>
        %dma_start3A_53 = arith.constant 0 : i32
        %dma_start3A_54 = tpu.memref_slice %arg17[%add3A_52, %dma_start3A_53] : memref<10240x128xf32, #tpu.memory_space<vmem_shared>> -> memref<64x128xf32, #tpu.memory_space<vmem_shared>>
        %dma_start3A_55 = arith.constant 0 : i32
        %dma_start3A_56 = tpu.memref_slice %arg17[%add3A_52, %dma_start3A_55] : memref<10240x128xf32, #tpu.memory_space<vmem_shared>> -> memref<64x128xf32, #tpu.memory_space<vmem_shared>>
        tpu.enqueue_dma source(%arg16 : memref<64x128xf32, #tpu.memory_space<vmem>>) target(%dma_start3A_56 : memref<64x128xf32, #tpu.memory_space<vmem_shared>>) target_semaphore(%run_scoped3A : memref<!tpu.dma_semaphore, #tpu.memory_space<semaphore_mem>>)
        %dma_wait3A_57 = arith.constant 0 : i32
        %dma_wait3A_58 = tpu.memref_slice %arg17[%add3A_52, %dma_wait3A_57] : memref<10240x128xf32, #tpu.memory_space<vmem_shared>> -> memref<64x128xf32, #tpu.memory_space<vmem_shared>>
        %dma_wait3A_59 = arith.constant 0 : i32
        %dma_wait3A_60 = tpu.memref_slice %arg17[%add3A_52, %dma_wait3A_59] : memref<10240x128xf32, #tpu.memory_space<vmem_shared>> -> memref<64x128xf32, #tpu.memory_space<vmem_shared>>
        tpu.wait_dma2 semaphore(%run_scoped3A : memref<!tpu.dma_semaphore, #tpu.memory_space<semaphore_mem>>) src(%arg16 : memref<64x128xf32, #tpu.memory_space<vmem>>) dst(%dma_wait3A_60 : memref<64x128xf32, #tpu.memory_space<vmem_shared>>)
        tpu.yield
      }) : () -> ()
    }
    %scan3A_5 = arith.constant 10 : i32
    %barrier3A = arith.constant 0 : index
    tpu.barrier barrier_id(%barrier3A)
    %mul3A_6 = arith.constant 128 : i32
    %mul3A_7 = arith.muli %add3A, %mul3A_6 : i32
    "tpu.region"() ({
      %run_scoped3A = tpu.sem_alloc : memref<!tpu.dma_semaphore, #tpu.memory_space<semaphore_mem>>
      %dma_start3A_47 = tpu.memref_slice %arg3[%mul3A_7] : memref<640000xi32, #tpu.memory_space<hbm>> -> memref<128xi32, #tpu.memory_space<hbm>>
      %dma_start3A_48 = tpu.memref_slice %arg3[%mul3A_7] : memref<640000xi32, #tpu.memory_space<hbm>> -> memref<128xi32, #tpu.memory_space<hbm>>
      tpu.enqueue_dma source(%dma_start3A_48 : memref<128xi32, #tpu.memory_space<hbm>>) target(%arg6 : memref<128xi32, #tpu.memory_space<vmem>>) target_semaphore(%run_scoped3A : memref<!tpu.dma_semaphore, #tpu.memory_space<semaphore_mem>>)
      %dma_wait3A_49 = tpu.memref_slice %arg3[%mul3A_7] : memref<640000xi32, #tpu.memory_space<hbm>> -> memref<128xi32, #tpu.memory_space<hbm>>
      %dma_wait3A_50 = tpu.memref_slice %arg3[%mul3A_7] : memref<640000xi32, #tpu.memory_space<hbm>> -> memref<128xi32, #tpu.memory_space<hbm>>
      tpu.wait_dma2 semaphore(%run_scoped3A : memref<!tpu.dma_semaphore, #tpu.memory_space<semaphore_mem>>) src(%dma_wait3A_50 : memref<128xi32, #tpu.memory_space<hbm>>) dst(%arg6 : memref<128xi32, #tpu.memory_space<vmem>>)
      tpu.yield
    }) : () -> ()
    %mul3A_8 = arith.constant 128 : i32
    %mul3A_9 = arith.muli %add3A, %mul3A_8 : i32
    %add3A_10 = arith.constant 320000 : i32
    %add3A_11 = arith.addi %add3A_10, %mul3A_9 : i32
    "tpu.region"() ({
      %run_scoped3A = tpu.sem_alloc : memref<!tpu.dma_semaphore, #tpu.memory_space<semaphore_mem>>
      %dma_start3A_47 = tpu.memref_slice %arg3[%add3A_11] : memref<640000xi32, #tpu.memory_space<hbm>> -> memref<128xi32, #tpu.memory_space<hbm>>
      %dma_start3A_48 = tpu.memref_slice %arg3[%add3A_11] : memref<640000xi32, #tpu.memory_space<hbm>> -> memref<128xi32, #tpu.memory_space<hbm>>
      tpu.enqueue_dma source(%dma_start3A_48 : memref<128xi32, #tpu.memory_space<hbm>>) target(%arg10 : memref<128xi32, #tpu.memory_space<vmem>>) target_semaphore(%run_scoped3A : memref<!tpu.dma_semaphore, #tpu.memory_space<semaphore_mem>>)
      %dma_wait3A_49 = tpu.memref_slice %arg3[%add3A_11] : memref<640000xi32, #tpu.memory_space<hbm>> -> memref<128xi32, #tpu.memory_space<hbm>>
      %dma_wait3A_50 = tpu.memref_slice %arg3[%add3A_11] : memref<640000xi32, #tpu.memory_space<hbm>> -> memref<128xi32, #tpu.memory_space<hbm>>
      tpu.wait_dma2 semaphore(%run_scoped3A : memref<!tpu.dma_semaphore, #tpu.memory_space<semaphore_mem>>) src(%dma_wait3A_50 : memref<128xi32, #tpu.memory_space<hbm>>) dst(%arg10 : memref<128xi32, #tpu.memory_space<vmem>>)
      tpu.yield
    }) : () -> ()
    %dma_start3A = arith.constant 0 : i32
    %dma_start3A_12 = arith.constant 0 : i32
    %dma_start3A_13 = tpu.memref_slice %arg2[%dma_start3A, %dma_start3A_12] : memref<10000x128xf32, #tpu.memory_space<hbm>> -> memref<10000x128xf32, #tpu.memory_space<hbm>>
    tpu.enqueue_indirect_dma source(%dma_start3A_13 : memref<10000x128xf32, #tpu.memory_space<hbm>>) target(%arg14 : memref<128x128xf32, #tpu.memory_space<vmem>>) offsets(%arg6 : memref<128xi32, #tpu.memory_space<vmem>>) semaphore(%arg22 : memref<!tpu.dma_semaphore, #tpu.memory_space<semaphore_mem>>)
    %add3A_14 = arith.constant 32 : i32
    %add3A_15 = arith.addi %add3A_14, %add3A : i32
    %min3A = arith.constant 2499 : i32
    %min3A_16 = arith.minsi %add3A_15, %min3A : i32
    %mul3A_17 = arith.constant 128 : i32
    %mul3A_18 = arith.muli %min3A_16, %mul3A_17 : i32
    %dma_start3A_19 = tpu.memref_slice %arg3[%mul3A_18] : memref<640000xi32, #tpu.memory_space<hbm>> -> memref<128xi32, #tpu.memory_space<hbm>>
    %dma_start3A_20 = tpu.memref_slice %arg3[%mul3A_18] : memref<640000xi32, #tpu.memory_space<hbm>> -> memref<128xi32, #tpu.memory_space<hbm>>
    tpu.enqueue_dma source(%dma_start3A_20 : memref<128xi32, #tpu.memory_space<hbm>>) target(%arg7 : memref<128xi32, #tpu.memory_space<vmem>>) target_semaphore(%arg19 : memref<!tpu.dma_semaphore, #tpu.memory_space<semaphore_mem>>)
    %add3A_21 = arith.constant 320000 : i32
    %add3A_22 = arith.addi %add3A_21, %mul3A_18 : i32
    %dma_start3A_23 = tpu.memref_slice %arg3[%add3A_22] : memref<640000xi32, #tpu.memory_space<hbm>> -> memref<128xi32, #tpu.memory_space<hbm>>
    %dma_start3A_24 = tpu.memref_slice %arg3[%add3A_22] : memref<640000xi32, #tpu.memory_space<hbm>> -> memref<128xi32, #tpu.memory_space<hbm>>
    tpu.enqueue_dma source(%dma_start3A_24 : memref<128xi32, #tpu.memory_space<hbm>>) target(%arg11 : memref<128xi32, #tpu.memory_space<vmem>>) target_semaphore(%arg19 : memref<!tpu.dma_semaphore, #tpu.memory_space<semaphore_mem>>)
    %scan3A_25 = arith.constant 0 : i32
    %scan3A_26 = arith.constant 0 : i32
    %scan3A_27 = arith.constant 20 : i32
    %scan3A_28 = arith.addi %scan3A_26, %scan3A_27 : i32
    %scan3A_29 = arith.constant 1 : i32
    scf.for %scan3A_47 = %scan3A_26 to %scan3A_28 step %scan3A_29  : i32 {
      %mul3A_48 = arith.constant 4 : i32
      %mul3A_49 = arith.muli %mul3A_48, %scan3A_47 : i32
      %add3A_50 = arith.constant 0 : i32
      %add3A_51 = arith.addi %mul3A_49, %add3A_50 : i32
      %lt3A_52 = arith.constant 79 : i32
      %lt3A_53 = arith.cmpi slt, %add3A_51, %lt3A_52 : i32
      %convert_element_type3A_54 = arith.extui %lt3A_53 : i1 to i32
      %cond3A_55 = arith.constant 0 : i32
      %cond3A_56 = arith.cmpi ne, %convert_element_type3A_54, %cond3A_55 : i32
      scf.if %cond3A_56 {
        %add3A_78 = arith.constant 1 : i32
        %add3A_79 = arith.addi %add3A_51, %add3A_78 : i32
        %lt3A_80 = arith.constant 79 : i32
        %lt3A_81 = arith.cmpi slt, %add3A_79, %lt3A_80 : i32
        %convert_element_type3A_82 = arith.extui %lt3A_81 : i1 to i32
        %cond3A_83 = arith.constant 0 : i32
        %cond3A_84 = arith.cmpi ne, %convert_element_type3A_82, %cond3A_83 : i32
        scf.if %cond3A_84 {
          %dma_wait3A_106 = arith.constant 0 : i32
          %dma_wait3A_107 = tpu.memref_slice %arg3[%dma_wait3A_106] : memref<640000xi32, #tpu.memory_space<hbm>> -> memref<128xi32, #tpu.memory_space<hbm>>
          %dma_wait3A_108 = arith.constant 0 : i32
          %dma_wait3A_109 = tpu.memref_slice %arg3[%dma_wait3A_108] : memref<640000xi32, #tpu.memory_space<hbm>> -> memref<128xi32, #tpu.memory_space<hbm>>
          tpu.wait_dma2 semaphore(%arg19 : memref<!tpu.dma_semaphore, #tpu.memory_space<semaphore_mem>>) src(%dma_wait3A_109 : memref<128xi32, #tpu.memory_space<hbm>>) dst(%arg7 : memref<128xi32, #tpu.memory_space<vmem>>)
          %dma_wait3A_110 = arith.constant 0 : i32
          %dma_wait3A_111 = tpu.memref_slice %arg3[%dma_wait3A_110] : memref<640000xi32, #tpu.memory_space<hbm>> -> memref<128xi32, #tpu.memory_space<hbm>>
          %dma_wait3A_112 = arith.constant 0 : i32
          %dma_wait3A_113 = tpu.memref_slice %arg3[%dma_wait3A_112] : memref<640000xi32, #tpu.memory_space<hbm>> -> memref<128xi32, #tpu.memory_space<hbm>>
          tpu.wait_dma2 semaphore(%arg19 : memref<!tpu.dma_semaphore, #tpu.memory_space<semaphore_mem>>) src(%dma_wait3A_113 : memref<128xi32, #tpu.memory_space<hbm>>) dst(%arg11 : memref<128xi32, #tpu.memory_space<vmem>>)
          %ge3A = arith.constant 1 : i32
          %ge3A_114 = arith.cmpi sge, %add3A_51, %ge3A : i32
          %convert_element_type3A_115 = arith.extui %ge3A_114 : i1 to i32
          %cond3A_116 = arith.constant 0 : i32
          %cond3A_117 = arith.cmpi ne, %convert_element_type3A_115, %cond3A_116 : i32
          scf.if %cond3A_117 {
            %dma_wait3A_121 = arith.constant 0 : i32
            %dma_wait3A_122 = arith.constant 0 : i32
            %dma_wait3A_123 = tpu.memref_slice %arg17[%dma_wait3A_121, %dma_wait3A_122] : memref<10240x128xf32, #tpu.memory_space<vmem_shared>> -> memref<128x128xf32, #tpu.memory_space<vmem_shared>>
            %dma_wait3A_124 = arith.constant 0 : i32
            %dma_wait3A_125 = arith.constant 0 : i32
            %dma_wait3A_126 = tpu.memref_slice %arg17[%dma_wait3A_124, %dma_wait3A_125] : memref<10240x128xf32, #tpu.memory_space<vmem_shared>> -> memref<128x128xf32, #tpu.memory_space<vmem_shared>>
            tpu.wait_dma2 semaphore(%arg25 : memref<!tpu.dma_semaphore, #tpu.memory_space<semaphore_mem>>) src(%arg15 : memref<128x128xf32, #tpu.memory_space<vmem>>) dst(%dma_wait3A_126 : memref<128x128xf32, #tpu.memory_space<vmem_shared>>)
          } else {
          }
          %dma_start3A_118 = arith.constant 0 : i32
          %dma_start3A_119 = arith.constant 0 : i32
          %dma_start3A_120 = tpu.memref_slice %arg2[%dma_start3A_118, %dma_start3A_119] : memref<10000x128xf32, #tpu.memory_space<hbm>> -> memref<10000x128xf32, #tpu.memory_space<hbm>>
          tpu.enqueue_indirect_dma source(%dma_start3A_120 : memref<10000x128xf32, #tpu.memory_space<hbm>>) target(%arg15 : memref<128x128xf32, #tpu.memory_space<vmem>>) offsets(%arg7 : memref<128xi32, #tpu.memory_space<vmem>>) semaphore(%arg23 : memref<!tpu.dma_semaphore, #tpu.memory_space<semaphore_mem>>)
        } else {
        }
        %add3A_85 = arith.constant 2 : i32
        %add3A_86 = arith.addi %add3A_51, %add3A_85 : i32
        %lt3A_87 = arith.constant 79 : i32
        %lt3A_88 = arith.cmpi slt, %add3A_86, %lt3A_87 : i32
        %convert_element_type3A_89 = arith.extui %lt3A_88 : i1 to i32
        %cond3A_90 = arith.constant 0 : i32
        %cond3A_91 = arith.cmpi ne, %convert_element_type3A_89, %cond3A_90 : i32
        scf.if %cond3A_91 {
          %add3A_106 = arith.constant 2 : i32
          %add3A_107 = arith.addi %add3A_51, %add3A_106 : i32
          %mul3A_108 = arith.constant 32 : i32
          %mul3A_109 = arith.muli %add3A_107, %mul3A_108 : i32
          %add3A_110 = arith.addi %mul3A_109, %add3A : i32
          %min3A_111 = arith.constant 2499 : i32
          %min3A_112 = arith.minsi %add3A_110, %min3A_111 : i32
          %mul3A_113 = arith.constant 128 : i32
          %mul3A_114 = arith.muli %min3A_112, %mul3A_113 : i32
          %dma_start3A_115 = tpu.memref_slice %arg3[%mul3A_114] : memref<640000xi32, #tpu.memory_space<hbm>> -> memref<128xi32, #tpu.memory_space<hbm>>
          %dma_start3A_116 = tpu.memref_slice %arg3[%mul3A_114] : memref<640000xi32, #tpu.memory_space<hbm>> -> memref<128xi32, #tpu.memory_space<hbm>>
          tpu.enqueue_dma source(%dma_start3A_116 : memref<128xi32, #tpu.memory_space<hbm>>) target(%arg8 : memref<128xi32, #tpu.memory_space<vmem>>) target_semaphore(%arg20 : memref<!tpu.dma_semaphore, #tpu.memory_space<semaphore_mem>>)
          %add3A_117 = arith.constant 320000 : i32
          %add3A_118 = arith.addi %add3A_117, %mul3A_114 : i32
          %dma_start3A_119 = tpu.memref_slice %arg3[%add3A_118] : memref<640000xi32, #tpu.memory_space<hbm>> -> memref<128xi32, #tpu.memory_space<hbm>>
          %dma_start3A_120 = tpu.memref_slice %arg3[%add3A_118] : memref<640000xi32, #tpu.memory_space<hbm>> -> memref<128xi32, #tpu.memory_space<hbm>>
          tpu.enqueue_dma source(%dma_start3A_120 : memref<128xi32, #tpu.memory_space<hbm>>) target(%arg12 : memref<128xi32, #tpu.memory_space<vmem>>) target_semaphore(%arg20 : memref<!tpu.dma_semaphore, #tpu.memory_space<semaphore_mem>>)
        } else {
        }
        %dma_wait3A_92 = arith.constant 0 : i32
        %dma_wait3A_93 = arith.constant 0 : i32
        %dma_wait3A_94 = tpu.memref_slice %arg2[%dma_wait3A_92, %dma_wait3A_93] : memref<10000x128xf32, #tpu.memory_space<hbm>> -> memref<128x128xf32, #tpu.memory_space<hbm>>
        %dma_wait3A_95 = arith.constant 0 : i32
        %dma_wait3A_96 = arith.constant 0 : i32
        %dma_wait3A_97 = tpu.memref_slice %arg2[%dma_wait3A_95, %dma_wait3A_96] : memref<10000x128xf32, #tpu.memory_space<hbm>> -> memref<128x128xf32, #tpu.memory_space<hbm>>
        tpu.wait_dma2 semaphore(%arg22 : memref<!tpu.dma_semaphore, #tpu.memory_space<semaphore_mem>>) src(%dma_wait3A_97 : memref<128x128xf32, #tpu.memory_space<hbm>>) dst(%arg14 : memref<128x128xf32, #tpu.memory_space<vmem>>)
        %mul3A_98 = arith.constant 32 : i32
        %mul3A_99 = arith.muli %add3A_51, %mul3A_98 : i32
        %add3A_100 = arith.addi %mul3A_99, %add3A : i32
        %lt3A_101 = arith.constant 2500 : i32
        %lt3A_102 = arith.cmpi slt, %add3A_100, %lt3A_101 : i32
        %convert_element_type3A_103 = arith.extui %lt3A_102 : i1 to i32
        %cond3A_104 = arith.constant 0 : i32
        %cond3A_105 = arith.cmpi ne, %convert_element_type3A_103, %cond3A_104 : i32
        scf.if %cond3A_105 {
          %dma_start3A_106 = arith.constant 0 : i32
          %dma_start3A_107 = arith.constant 0 : i32
          %dma_start3A_108 = tpu.memref_slice %arg17[%dma_start3A_106, %dma_start3A_107] : memref<10240x128xf32, #tpu.memory_space<vmem_shared>> -> memref<10240x128xf32, #tpu.memory_space<vmem_shared>>
          tpu.enqueue_indirect_dma source(%arg14 : memref<128x128xf32, #tpu.memory_space<vmem>>) target(%dma_start3A_108 : memref<10240x128xf32, #tpu.memory_space<vmem_shared>>) offsets(%arg10 : memref<128xi32, #tpu.memory_space<vmem>>) semaphore(%arg24 : memref<!tpu.dma_semaphore, #tpu.memory_space<semaphore_mem>>) {add = true}
        } else {
        }
      } else {
      }
      %add3A_57 = arith.constant 1 : i32
      %add3A_58 = arith.addi %mul3A_49, %add3A_57 : i32
      %lt3A_59 = arith.constant 79 : i32
      %lt3A_60 = arith.cmpi slt, %add3A_58, %lt3A_59 : i32
      %convert_element_type3A_61 = arith.extui %lt3A_60 : i1 to i32
      %cond3A_62 = arith.constant 0 : i32
      %cond3A_63 = arith.cmpi ne, %convert_element_type3A_61, %cond3A_62 : i32
      scf.if %cond3A_63 {
        %add3A_78 = arith.constant 1 : i32
        %add3A_79 = arith.addi %add3A_58, %add3A_78 : i32
        %lt3A_80 = arith.constant 79 : i32
        %lt3A_81 = arith.cmpi slt, %add3A_79, %lt3A_80 : i32
        %convert_element_type3A_82 = arith.extui %lt3A_81 : i1 to i32
        %cond3A_83 = arith.constant 0 : i32
        %cond3A_84 = arith.cmpi ne, %convert_element_type3A_82, %cond3A_83 : i32
        scf.if %cond3A_84 {
          %dma_wait3A_106 = arith.constant 0 : i32
          %dma_wait3A_107 = tpu.memref_slice %arg3[%dma_wait3A_106] : memref<640000xi32, #tpu.memory_space<hbm>> -> memref<128xi32, #tpu.memory_space<hbm>>
          %dma_wait3A_108 = arith.constant 0 : i32
          %dma_wait3A_109 = tpu.memref_slice %arg3[%dma_wait3A_108] : memref<640000xi32, #tpu.memory_space<hbm>> -> memref<128xi32, #tpu.memory_space<hbm>>
          tpu.wait_dma2 semaphore(%arg20 : memref<!tpu.dma_semaphore, #tpu.memory_space<semaphore_mem>>) src(%dma_wait3A_109 : memref<128xi32, #tpu.memory_space<hbm>>) dst(%arg8 : memref<128xi32, #tpu.memory_space<vmem>>)
          %dma_wait3A_110 = arith.constant 0 : i32
          %dma_wait3A_111 = tpu.memref_slice %arg3[%dma_wait3A_110] : memref<640000xi32, #tpu.memory_space<hbm>> -> memref<128xi32, #tpu.memory_space<hbm>>
          %dma_wait3A_112 = arith.constant 0 : i32
          %dma_wait3A_113 = tpu.memref_slice %arg3[%dma_wait3A_112] : memref<640000xi32, #tpu.memory_space<hbm>> -> memref<128xi32, #tpu.memory_space<hbm>>
          tpu.wait_dma2 semaphore(%arg20 : memref<!tpu.dma_semaphore, #tpu.memory_space<semaphore_mem>>) src(%dma_wait3A_113 : memref<128xi32, #tpu.memory_space<hbm>>) dst(%arg12 : memref<128xi32, #tpu.memory_space<vmem>>)
          %ge3A = arith.constant 1 : i32
          %ge3A_114 = arith.cmpi sge, %add3A_58, %ge3A : i32
          %convert_element_type3A_115 = arith.extui %ge3A_114 : i1 to i32
          %cond3A_116 = arith.constant 0 : i32
          %cond3A_117 = arith.cmpi ne, %convert_element_type3A_115, %cond3A_116 : i32
          scf.if %cond3A_117 {
            %dma_wait3A_121 = arith.constant 0 : i32
            %dma_wait3A_122 = arith.constant 0 : i32
            %dma_wait3A_123 = tpu.memref_slice %arg17[%dma_wait3A_121, %dma_wait3A_122] : memref<10240x128xf32, #tpu.memory_space<vmem_shared>> -> memref<128x128xf32, #tpu.memory_space<vmem_shared>>
            %dma_wait3A_124 = arith.constant 0 : i32
            %dma_wait3A_125 = arith.constant 0 : i32
            %dma_wait3A_126 = tpu.memref_slice %arg17[%dma_wait3A_124, %dma_wait3A_125] : memref<10240x128xf32, #tpu.memory_space<vmem_shared>> -> memref<128x128xf32, #tpu.memory_space<vmem_shared>>
            tpu.wait_dma2 semaphore(%arg24 : memref<!tpu.dma_semaphore, #tpu.memory_space<semaphore_mem>>) src(%arg14 : memref<128x128xf32, #tpu.memory_space<vmem>>) dst(%dma_wait3A_126 : memref<128x128xf32, #tpu.memory_space<vmem_shared>>)
          } else {
          }
          %dma_start3A_118 = arith.constant 0 : i32
          %dma_start3A_119 = arith.constant 0 : i32
          %dma_start3A_120 = tpu.memref_slice %arg2[%dma_start3A_118, %dma_start3A_119] : memref<10000x128xf32, #tpu.memory_space<hbm>> -> memref<10000x128xf32, #tpu.memory_space<hbm>>
          tpu.enqueue_indirect_dma source(%dma_start3A_120 : memref<10000x128xf32, #tpu.memory_space<hbm>>) target(%arg14 : memref<128x128xf32, #tpu.memory_space<vmem>>) offsets(%arg8 : memref<128xi32, #tpu.memory_space<vmem>>) semaphore(%arg22 : memref<!tpu.dma_semaphore, #tpu.memory_space<semaphore_mem>>)
        } else {
        }
        %add3A_85 = arith.constant 2 : i32
        %add3A_86 = arith.addi %add3A_58, %add3A_85 : i32
        %lt3A_87 = arith.constant 79 : i32
        %lt3A_88 = arith.cmpi slt, %add3A_86, %lt3A_87 : i32
        %convert_element_type3A_89 = arith.extui %lt3A_88 : i1 to i32
        %cond3A_90 = arith.constant 0 : i32
        %cond3A_91 = arith.cmpi ne, %convert_element_type3A_89, %cond3A_90 : i32
        scf.if %cond3A_91 {
          %add3A_106 = arith.constant 2 : i32
          %add3A_107 = arith.addi %add3A_58, %add3A_106 : i32
          %mul3A_108 = arith.constant 32 : i32
          %mul3A_109 = arith.muli %add3A_107, %mul3A_108 : i32
          %add3A_110 = arith.addi %mul3A_109, %add3A : i32
          %min3A_111 = arith.constant 2499 : i32
          %min3A_112 = arith.minsi %add3A_110, %min3A_111 : i32
          %mul3A_113 = arith.constant 128 : i32
          %mul3A_114 = arith.muli %min3A_112, %mul3A_113 : i32
          %dma_start3A_115 = tpu.memref_slice %arg3[%mul3A_114] : memref<640000xi32, #tpu.memory_space<hbm>> -> memref<128xi32, #tpu.memory_space<hbm>>
          %dma_start3A_116 = tpu.memref_slice %arg3[%mul3A_114] : memref<640000xi32, #tpu.memory_space<hbm>> -> memref<128xi32, #tpu.memory_space<hbm>>
          tpu.enqueue_dma source(%dma_start3A_116 : memref<128xi32, #tpu.memory_space<hbm>>) target(%arg9 : memref<128xi32, #tpu.memory_space<vmem>>) target_semaphore(%arg21 : memref<!tpu.dma_semaphore, #tpu.memory_space<semaphore_mem>>)
          %add3A_117 = arith.constant 320000 : i32
          %add3A_118 = arith.addi %add3A_117, %mul3A_114 : i32
          %dma_start3A_119 = tpu.memref_slice %arg3[%add3A_118] : memref<640000xi32, #tpu.memory_space<hbm>> -> memref<128xi32, #tpu.memory_space<hbm>>
          %dma_start3A_120 = tpu.memref_slice %arg3[%add3A_118] : memref<640000xi32, #tpu.memory_space<hbm>> -> memref<128xi32, #tpu.memory_space<hbm>>
          tpu.enqueue_dma source(%dma_start3A_120 : memref<128xi32, #tpu.memory_space<hbm>>) target(%arg13 : memref<128xi32, #tpu.memory_space<vmem>>) target_semaphore(%arg21 : memref<!tpu.dma_semaphore, #tpu.memory_space<semaphore_mem>>)
        } else {
        }
        %dma_wait3A_92 = arith.constant 0 : i32
        %dma_wait3A_93 = arith.constant 0 : i32
        %dma_wait3A_94 = tpu.memref_slice %arg2[%dma_wait3A_92, %dma_wait3A_93] : memref<10000x128xf32, #tpu.memory_space<hbm>> -> memref<128x128xf32, #tpu.memory_space<hbm>>
        %dma_wait3A_95 = arith.constant 0 : i32
        %dma_wait3A_96 = arith.constant 0 : i32
        %dma_wait3A_97 = tpu.memref_slice %arg2[%dma_wait3A_95, %dma_wait3A_96] : memref<10000x128xf32, #tpu.memory_space<hbm>> -> memref<128x128xf32, #tpu.memory_space<hbm>>
        tpu.wait_dma2 semaphore(%arg23 : memref<!tpu.dma_semaphore, #tpu.memory_space<semaphore_mem>>) src(%dma_wait3A_97 : memref<128x128xf32, #tpu.memory_space<hbm>>) dst(%arg15 : memref<128x128xf32, #tpu.memory_space<vmem>>)
        %mul3A_98 = arith.constant 32 : i32
        %mul3A_99 = arith.muli %add3A_58, %mul3A_98 : i32
        %add3A_100 = arith.addi %mul3A_99, %add3A : i32
        %lt3A_101 = arith.constant 2500 : i32
        %lt3A_102 = arith.cmpi slt, %add3A_100, %lt3A_101 : i32
        %convert_element_type3A_103 = arith.extui %lt3A_102 : i1 to i32
        %cond3A_104 = arith.constant 0 : i32
        %cond3A_105 = arith.cmpi ne, %convert_element_type3A_103, %cond3A_104 : i32
        scf.if %cond3A_105 {
          %dma_start3A_106 = arith.constant 0 : i32
          %dma_start3A_107 = arith.constant 0 : i32
          %dma_start3A_108 = tpu.memref_slice %arg17[%dma_start3A_106, %dma_start3A_107] : memref<10240x128xf32, #tpu.memory_space<vmem_shared>> -> memref<10240x128xf32, #tpu.memory_space<vmem_shared>>
          tpu.enqueue_indirect_dma source(%arg15 : memref<128x128xf32, #tpu.memory_space<vmem>>) target(%dma_start3A_108 : memref<10240x128xf32, #tpu.memory_space<vmem_shared>>) offsets(%arg11 : memref<128xi32, #tpu.memory_space<vmem>>) semaphore(%arg25 : memref<!tpu.dma_semaphore, #tpu.memory_space<semaphore_mem>>) {add = true}
        } else {
        }
      } else {
      }
      %add3A_64 = arith.constant 2 : i32
      %add3A_65 = arith.addi %mul3A_49, %add3A_64 : i32
      %lt3A_66 = arith.constant 79 : i32
      %lt3A_67 = arith.cmpi slt, %add3A_65, %lt3A_66 : i32
      %convert_element_type3A_68 = arith.extui %lt3A_67 : i1 to i32
      %cond3A_69 = arith.constant 0 : i32
      %cond3A_70 = arith.cmpi ne, %convert_element_type3A_68, %cond3A_69 : i32
      scf.if %cond3A_70 {
        %add3A_78 = arith.constant 1 : i32
        %add3A_79 = arith.addi %add3A_65, %add3A_78 : i32
        %lt3A_80 = arith.constant 79 : i32
        %lt3A_81 = arith.cmpi slt, %add3A_79, %lt3A_80 : i32
        %convert_element_type3A_82 = arith.extui %lt3A_81 : i1 to i32
        %cond3A_83 = arith.constant 0 : i32
        %cond3A_84 = arith.cmpi ne, %convert_element_type3A_82, %cond3A_83 : i32
        scf.if %cond3A_84 {
          %dma_wait3A_106 = arith.constant 0 : i32
          %dma_wait3A_107 = tpu.memref_slice %arg3[%dma_wait3A_106] : memref<640000xi32, #tpu.memory_space<hbm>> -> memref<128xi32, #tpu.memory_space<hbm>>
          %dma_wait3A_108 = arith.constant 0 : i32
          %dma_wait3A_109 = tpu.memref_slice %arg3[%dma_wait3A_108] : memref<640000xi32, #tpu.memory_space<hbm>> -> memref<128xi32, #tpu.memory_space<hbm>>
          tpu.wait_dma2 semaphore(%arg21 : memref<!tpu.dma_semaphore, #tpu.memory_space<semaphore_mem>>) src(%dma_wait3A_109 : memref<128xi32, #tpu.memory_space<hbm>>) dst(%arg9 : memref<128xi32, #tpu.memory_space<vmem>>)
          %dma_wait3A_110 = arith.constant 0 : i32
          %dma_wait3A_111 = tpu.memref_slice %arg3[%dma_wait3A_110] : memref<640000xi32, #tpu.memory_space<hbm>> -> memref<128xi32, #tpu.memory_space<hbm>>
          %dma_wait3A_112 = arith.constant 0 : i32
          %dma_wait3A_113 = tpu.memref_slice %arg3[%dma_wait3A_112] : memref<640000xi32, #tpu.memory_space<hbm>> -> memref<128xi32, #tpu.memory_space<hbm>>
          tpu.wait_dma2 semaphore(%arg21 : memref<!tpu.dma_semaphore, #tpu.memory_space<semaphore_mem>>) src(%dma_wait3A_113 : memref<128xi32, #tpu.memory_space<hbm>>) dst(%arg13 : memref<128xi32, #tpu.memory_space<vmem>>)
          %ge3A = arith.constant 1 : i32
          %ge3A_114 = arith.cmpi sge, %add3A_65, %ge3A : i32
          %convert_element_type3A_115 = arith.extui %ge3A_114 : i1 to i32
          %cond3A_116 = arith.constant 0 : i32
          %cond3A_117 = arith.cmpi ne, %convert_element_type3A_115, %cond3A_116 : i32
          scf.if %cond3A_117 {
            %dma_wait3A_121 = arith.constant 0 : i32
            %dma_wait3A_122 = arith.constant 0 : i32
            %dma_wait3A_123 = tpu.memref_slice %arg17[%dma_wait3A_121, %dma_wait3A_122] : memref<10240x128xf32, #tpu.memory_space<vmem_shared>> -> memref<128x128xf32, #tpu.memory_space<vmem_shared>>
            %dma_wait3A_124 = arith.constant 0 : i32
            %dma_wait3A_125 = arith.constant 0 : i32
            %dma_wait3A_126 = tpu.memref_slice %arg17[%dma_wait3A_124, %dma_wait3A_125] : memref<10240x128xf32, #tpu.memory_space<vmem_shared>> -> memref<128x128xf32, #tpu.memory_space<vmem_shared>>
            tpu.wait_dma2 semaphore(%arg25 : memref<!tpu.dma_semaphore, #tpu.memory_space<semaphore_mem>>) src(%arg15 : memref<128x128xf32, #tpu.memory_space<vmem>>) dst(%dma_wait3A_126 : memref<128x128xf32, #tpu.memory_space<vmem_shared>>)
          } else {
          }
          %dma_start3A_118 = arith.constant 0 : i32
          %dma_start3A_119 = arith.constant 0 : i32
          %dma_start3A_120 = tpu.memref_slice %arg2[%dma_start3A_118, %dma_start3A_119] : memref<10000x128xf32, #tpu.memory_space<hbm>> -> memref<10000x128xf32, #tpu.memory_space<hbm>>
          tpu.enqueue_indirect_dma source(%dma_start3A_120 : memref<10000x128xf32, #tpu.memory_space<hbm>>) target(%arg15 : memref<128x128xf32, #tpu.memory_space<vmem>>) offsets(%arg9 : memref<128xi32, #tpu.memory_space<vmem>>) semaphore(%arg23 : memref<!tpu.dma_semaphore, #tpu.memory_space<semaphore_mem>>)
        } else {
        }
        %add3A_85 = arith.constant 2 : i32
        %add3A_86 = arith.addi %add3A_65, %add3A_85 : i32
        %lt3A_87 = arith.constant 79 : i32
        %lt3A_88 = arith.cmpi slt, %add3A_86, %lt3A_87 : i32
        %convert_element_type3A_89 = arith.extui %lt3A_88 : i1 to i32
        %cond3A_90 = arith.constant 0 : i32
        %cond3A_91 = arith.cmpi ne, %convert_element_type3A_89, %cond3A_90 : i32
        scf.if %cond3A_91 {
          %add3A_106 = arith.constant 2 : i32
          %add3A_107 = arith.addi %add3A_65, %add3A_106 : i32
          %mul3A_108 = arith.constant 32 : i32
          %mul3A_109 = arith.muli %add3A_107, %mul3A_108 : i32
          %add3A_110 = arith.addi %mul3A_109, %add3A : i32
          %min3A_111 = arith.constant 2499 : i32
          %min3A_112 = arith.minsi %add3A_110, %min3A_111 : i32
          %mul3A_113 = arith.constant 128 : i32
          %mul3A_114 = arith.muli %min3A_112, %mul3A_113 : i32
          %dma_start3A_115 = tpu.memref_slice %arg3[%mul3A_114] : memref<640000xi32, #tpu.memory_space<hbm>> -> memref<128xi32, #tpu.memory_space<hbm>>
          %dma_start3A_116 = tpu.memref_slice %arg3[%mul3A_114] : memref<640000xi32, #tpu.memory_space<hbm>> -> memref<128xi32, #tpu.memory_space<hbm>>
          tpu.enqueue_dma source(%dma_start3A_116 : memref<128xi32, #tpu.memory_space<hbm>>) target(%arg6 : memref<128xi32, #tpu.memory_space<vmem>>) target_semaphore(%arg18 : memref<!tpu.dma_semaphore, #tpu.memory_space<semaphore_mem>>)
          %add3A_117 = arith.constant 320000 : i32
          %add3A_118 = arith.addi %add3A_117, %mul3A_114 : i32
          %dma_start3A_119 = tpu.memref_slice %arg3[%add3A_118] : memref<640000xi32, #tpu.memory_space<hbm>> -> memref<128xi32, #tpu.memory_space<hbm>>
          %dma_start3A_120 = tpu.memref_slice %arg3[%add3A_118] : memref<640000xi32, #tpu.memory_space<hbm>> -> memref<128xi32, #tpu.memory_space<hbm>>
          tpu.enqueue_dma source(%dma_start3A_120 : memref<128xi32, #tpu.memory_space<hbm>>) target(%arg10 : memref<128xi32, #tpu.memory_space<vmem>>) target_semaphore(%arg18 : memref<!tpu.dma_semaphore, #tpu.memory_space<semaphore_mem>>)
        } else {
        }
        %dma_wait3A_92 = arith.constant 0 : i32
        %dma_wait3A_93 = arith.constant 0 : i32
        %dma_wait3A_94 = tpu.memref_slice %arg2[%dma_wait3A_92, %dma_wait3A_93] : memref<10000x128xf32, #tpu.memory_space<hbm>> -> memref<128x128xf32, #tpu.memory_space<hbm>>
        %dma_wait3A_95 = arith.constant 0 : i32
        %dma_wait3A_96 = arith.constant 0 : i32
        %dma_wait3A_97 = tpu.memref_slice %arg2[%dma_wait3A_95, %dma_wait3A_96] : memref<10000x128xf32, #tpu.memory_space<hbm>> -> memref<128x128xf32, #tpu.memory_space<hbm>>
        tpu.wait_dma2 semaphore(%arg22 : memref<!tpu.dma_semaphore, #tpu.memory_space<semaphore_mem>>) src(%dma_wait3A_97 : memref<128x128xf32, #tpu.memory_space<hbm>>) dst(%arg14 : memref<128x128xf32, #tpu.memory_space<vmem>>)
        %mul3A_98 = arith.constant 32 : i32
        %mul3A_99 = arith.muli %add3A_65, %mul3A_98 : i32
        %add3A_100 = arith.addi %mul3A_99, %add3A : i32
        %lt3A_101 = arith.constant 2500 : i32
        %lt3A_102 = arith.cmpi slt, %add3A_100, %lt3A_101 : i32
        %convert_element_type3A_103 = arith.extui %lt3A_102 : i1 to i32
        %cond3A_104 = arith.constant 0 : i32
        %cond3A_105 = arith.cmpi ne, %convert_element_type3A_103, %cond3A_104 : i32
        scf.if %cond3A_105 {
          %dma_start3A_106 = arith.constant 0 : i32
          %dma_start3A_107 = arith.constant 0 : i32
          %dma_start3A_108 = tpu.memref_slice %arg17[%dma_start3A_106, %dma_start3A_107] : memref<10240x128xf32, #tpu.memory_space<vmem_shared>> -> memref<10240x128xf32, #tpu.memory_space<vmem_shared>>
          tpu.enqueue_indirect_dma source(%arg14 : memref<128x128xf32, #tpu.memory_space<vmem>>) target(%dma_start3A_108 : memref<10240x128xf32, #tpu.memory_space<vmem_shared>>) offsets(%arg12 : memref<128xi32, #tpu.memory_space<vmem>>) semaphore(%arg24 : memref<!tpu.dma_semaphore, #tpu.memory_space<semaphore_mem>>) {add = true}
        } else {
        }
      } else {
      }
      %add3A_71 = arith.constant 3 : i32
      %add3A_72 = arith.addi %mul3A_49, %add3A_71 : i32
      %lt3A_73 = arith.constant 79 : i32
      %lt3A_74 = arith.cmpi slt, %add3A_72, %lt3A_73 : i32
      %convert_element_type3A_75 = arith.extui %lt3A_74 : i1 to i32
      %cond3A_76 = arith.constant 0 : i32
      %cond3A_77 = arith.cmpi ne, %convert_element_type3A_75, %cond3A_76 : i32
      scf.if %cond3A_77 {
        %add3A_78 = arith.constant 1 : i32
        %add3A_79 = arith.addi %add3A_72, %add3A_78 : i32
        %lt3A_80 = arith.constant 79 : i32
        %lt3A_81 = arith.cmpi slt, %add3A_79, %lt3A_80 : i32
        %convert_element_type3A_82 = arith.extui %lt3A_81 : i1 to i32
        %cond3A_83 = arith.constant 0 : i32
        %cond3A_84 = arith.cmpi ne, %convert_element_type3A_82, %cond3A_83 : i32
        scf.if %cond3A_84 {
          %dma_wait3A_106 = arith.constant 0 : i32
          %dma_wait3A_107 = tpu.memref_slice %arg3[%dma_wait3A_106] : memref<640000xi32, #tpu.memory_space<hbm>> -> memref<128xi32, #tpu.memory_space<hbm>>
          %dma_wait3A_108 = arith.constant 0 : i32
          %dma_wait3A_109 = tpu.memref_slice %arg3[%dma_wait3A_108] : memref<640000xi32, #tpu.memory_space<hbm>> -> memref<128xi32, #tpu.memory_space<hbm>>
          tpu.wait_dma2 semaphore(%arg18 : memref<!tpu.dma_semaphore, #tpu.memory_space<semaphore_mem>>) src(%dma_wait3A_109 : memref<128xi32, #tpu.memory_space<hbm>>) dst(%arg6 : memref<128xi32, #tpu.memory_space<vmem>>)
          %dma_wait3A_110 = arith.constant 0 : i32
          %dma_wait3A_111 = tpu.memref_slice %arg3[%dma_wait3A_110] : memref<640000xi32, #tpu.memory_space<hbm>> -> memref<128xi32, #tpu.memory_space<hbm>>
          %dma_wait3A_112 = arith.constant 0 : i32
          %dma_wait3A_113 = tpu.memref_slice %arg3[%dma_wait3A_112] : memref<640000xi32, #tpu.memory_space<hbm>> -> memref<128xi32, #tpu.memory_space<hbm>>
          tpu.wait_dma2 semaphore(%arg18 : memref<!tpu.dma_semaphore, #tpu.memory_space<semaphore_mem>>) src(%dma_wait3A_113 : memref<128xi32, #tpu.memory_space<hbm>>) dst(%arg10 : memref<128xi32, #tpu.memory_space<vmem>>)
          %ge3A = arith.constant 1 : i32
          %ge3A_114 = arith.cmpi sge, %add3A_72, %ge3A : i32
          %convert_element_type3A_115 = arith.extui %ge3A_114 : i1 to i32
          %cond3A_116 = arith.constant 0 : i32
          %cond3A_117 = arith.cmpi ne, %convert_element_type3A_115, %cond3A_116 : i32
          scf.if %cond3A_117 {
            %dma_wait3A_121 = arith.constant 0 : i32
            %dma_wait3A_122 = arith.constant 0 : i32
            %dma_wait3A_123 = tpu.memref_slice %arg17[%dma_wait3A_121, %dma_wait3A_122] : memref<10240x128xf32, #tpu.memory_space<vmem_shared>> -> memref<128x128xf32, #tpu.memory_space<vmem_shared>>
            %dma_wait3A_124 = arith.constant 0 : i32
            %dma_wait3A_125 = arith.constant 0 : i32
            %dma_wait3A_126 = tpu.memref_slice %arg17[%dma_wait3A_124, %dma_wait3A_125] : memref<10240x128xf32, #tpu.memory_space<vmem_shared>> -> memref<128x128xf32, #tpu.memory_space<vmem_shared>>
            tpu.wait_dma2 semaphore(%arg24 : memref<!tpu.dma_semaphore, #tpu.memory_space<semaphore_mem>>) src(%arg14 : memref<128x128xf32, #tpu.memory_space<vmem>>) dst(%dma_wait3A_126 : memref<128x128xf32, #tpu.memory_space<vmem_shared>>)
          } else {
          }
          %dma_start3A_118 = arith.constant 0 : i32
          %dma_start3A_119 = arith.constant 0 : i32
          %dma_start3A_120 = tpu.memref_slice %arg2[%dma_start3A_118, %dma_start3A_119] : memref<10000x128xf32, #tpu.memory_space<hbm>> -> memref<10000x128xf32, #tpu.memory_space<hbm>>
          tpu.enqueue_indirect_dma source(%dma_start3A_120 : memref<10000x128xf32, #tpu.memory_space<hbm>>) target(%arg14 : memref<128x128xf32, #tpu.memory_space<vmem>>) offsets(%arg6 : memref<128xi32, #tpu.memory_space<vmem>>) semaphore(%arg22 : memref<!tpu.dma_semaphore, #tpu.memory_space<semaphore_mem>>)
        } else {
        }
        %add3A_85 = arith.constant 2 : i32
        %add3A_86 = arith.addi %add3A_72, %add3A_85 : i32
        %lt3A_87 = arith.constant 79 : i32
        %lt3A_88 = arith.cmpi slt, %add3A_86, %lt3A_87 : i32
        %convert_element_type3A_89 = arith.extui %lt3A_88 : i1 to i32
        %cond3A_90 = arith.constant 0 : i32
        %cond3A_91 = arith.cmpi ne, %convert_element_type3A_89, %cond3A_90 : i32
        scf.if %cond3A_91 {
          %add3A_106 = arith.constant 2 : i32
          %add3A_107 = arith.addi %add3A_72, %add3A_106 : i32
          %mul3A_108 = arith.constant 32 : i32
          %mul3A_109 = arith.muli %add3A_107, %mul3A_108 : i32
          %add3A_110 = arith.addi %mul3A_109, %add3A : i32
          %min3A_111 = arith.constant 2499 : i32
          %min3A_112 = arith.minsi %add3A_110, %min3A_111 : i32
          %mul3A_113 = arith.constant 128 : i32
          %mul3A_114 = arith.muli %min3A_112, %mul3A_113 : i32
          %dma_start3A_115 = tpu.memref_slice %arg3[%mul3A_114] : memref<640000xi32, #tpu.memory_space<hbm>> -> memref<128xi32, #tpu.memory_space<hbm>>
          %dma_start3A_116 = tpu.memref_slice %arg3[%mul3A_114] : memref<640000xi32, #tpu.memory_space<hbm>> -> memref<128xi32, #tpu.memory_space<hbm>>
          tpu.enqueue_dma source(%dma_start3A_116 : memref<128xi32, #tpu.memory_space<hbm>>) target(%arg7 : memref<128xi32, #tpu.memory_space<vmem>>) target_semaphore(%arg19 : memref<!tpu.dma_semaphore, #tpu.memory_space<semaphore_mem>>)
          %add3A_117 = arith.constant 320000 : i32
          %add3A_118 = arith.addi %add3A_117, %mul3A_114 : i32
          %dma_start3A_119 = tpu.memref_slice %arg3[%add3A_118] : memref<640000xi32, #tpu.memory_space<hbm>> -> memref<128xi32, #tpu.memory_space<hbm>>
          %dma_start3A_120 = tpu.memref_slice %arg3[%add3A_118] : memref<640000xi32, #tpu.memory_space<hbm>> -> memref<128xi32, #tpu.memory_space<hbm>>
          tpu.enqueue_dma source(%dma_start3A_120 : memref<128xi32, #tpu.memory_space<hbm>>) target(%arg11 : memref<128xi32, #tpu.memory_space<vmem>>) target_semaphore(%arg19 : memref<!tpu.dma_semaphore, #tpu.memory_space<semaphore_mem>>)
        } else {
        }
        %dma_wait3A_92 = arith.constant 0 : i32
        %dma_wait3A_93 = arith.constant 0 : i32
        %dma_wait3A_94 = tpu.memref_slice %arg2[%dma_wait3A_92, %dma_wait3A_93] : memref<10000x128xf32, #tpu.memory_space<hbm>> -> memref<128x128xf32, #tpu.memory_space<hbm>>
        %dma_wait3A_95 = arith.constant 0 : i32
        %dma_wait3A_96 = arith.constant 0 : i32
        %dma_wait3A_97 = tpu.memref_slice %arg2[%dma_wait3A_95, %dma_wait3A_96] : memref<10000x128xf32, #tpu.memory_space<hbm>> -> memref<128x128xf32, #tpu.memory_space<hbm>>
        tpu.wait_dma2 semaphore(%arg23 : memref<!tpu.dma_semaphore, #tpu.memory_space<semaphore_mem>>) src(%dma_wait3A_97 : memref<128x128xf32, #tpu.memory_space<hbm>>) dst(%arg15 : memref<128x128xf32, #tpu.memory_space<vmem>>)
        %mul3A_98 = arith.constant 32 : i32
        %mul3A_99 = arith.muli %add3A_72, %mul3A_98 : i32
        %add3A_100 = arith.addi %mul3A_99, %add3A : i32
        %lt3A_101 = arith.constant 2500 : i32
        %lt3A_102 = arith.cmpi slt, %add3A_100, %lt3A_101 : i32
        %convert_element_type3A_103 = arith.extui %lt3A_102 : i1 to i32
        %cond3A_104 = arith.constant 0 : i32
        %cond3A_105 = arith.cmpi ne, %convert_element_type3A_103, %cond3A_104 : i32
        scf.if %cond3A_105 {
          %dma_start3A_106 = arith.constant 0 : i32
          %dma_start3A_107 = arith.constant 0 : i32
          %dma_start3A_108 = tpu.memref_slice %arg17[%dma_start3A_106, %dma_start3A_107] : memref<10240x128xf32, #tpu.memory_space<vmem_shared>> -> memref<10240x128xf32, #tpu.memory_space<vmem_shared>>
          tpu.enqueue_indirect_dma source(%arg15 : memref<128x128xf32, #tpu.memory_space<vmem>>) target(%dma_start3A_108 : memref<10240x128xf32, #tpu.memory_space<vmem_shared>>) offsets(%arg13 : memref<128xi32, #tpu.memory_space<vmem>>) semaphore(%arg25 : memref<!tpu.dma_semaphore, #tpu.memory_space<semaphore_mem>>) {add = true}
        } else {
        }
      } else {
      }
    }
    %scan3A_30 = arith.constant 20 : i32
    %dma_wait3A = arith.constant 0 : i32
    %dma_wait3A_31 = arith.constant 0 : i32
    %dma_wait3A_32 = tpu.memref_slice %arg17[%dma_wait3A, %dma_wait3A_31] : memref<10240x128xf32, #tpu.memory_space<vmem_shared>> -> memref<128x128xf32, #tpu.memory_space<vmem_shared>>
    %dma_wait3A_33 = arith.constant 0 : i32
    %dma_wait3A_34 = arith.constant 0 : i32
    %dma_wait3A_35 = tpu.memref_slice %arg17[%dma_wait3A_33, %dma_wait3A_34] : memref<10240x128xf32, #tpu.memory_space<vmem_shared>> -> memref<128x128xf32, #tpu.memory_space<vmem_shared>>
    tpu.wait_dma2 semaphore(%arg25 : memref<!tpu.dma_semaphore, #tpu.memory_space<semaphore_mem>>) src(%arg15 : memref<128x128xf32, #tpu.memory_space<vmem>>) dst(%dma_wait3A_35 : memref<128x128xf32, #tpu.memory_space<vmem_shared>>)
    %add3A_36 = arith.constant 2496 : i32
    %add3A_37 = arith.addi %add3A_36, %add3A : i32
    %lt3A = arith.constant 2500 : i32
    %lt3A_38 = arith.cmpi slt, %add3A_37, %lt3A : i32
    %convert_element_type3A = arith.extui %lt3A_38 : i1 to i32
    %cond3A = arith.constant 0 : i32
    %cond3A_39 = arith.cmpi ne, %convert_element_type3A, %cond3A : i32
    scf.if %cond3A_39 {
      %dma_wait3A_47 = arith.constant 0 : i32
      %dma_wait3A_48 = arith.constant 0 : i32
      %dma_wait3A_49 = tpu.memref_slice %arg17[%dma_wait3A_47, %dma_wait3A_48] : memref<10240x128xf32, #tpu.memory_space<vmem_shared>> -> memref<128x128xf32, #tpu.memory_space<vmem_shared>>
      %dma_wait3A_50 = arith.constant 0 : i32
      %dma_wait3A_51 = arith.constant 0 : i32
      %dma_wait3A_52 = tpu.memref_slice %arg17[%dma_wait3A_50, %dma_wait3A_51] : memref<10240x128xf32, #tpu.memory_space<vmem_shared>> -> memref<128x128xf32, #tpu.memory_space<vmem_shared>>
      tpu.wait_dma2 semaphore(%arg24 : memref<!tpu.dma_semaphore, #tpu.memory_space<semaphore_mem>>) src(%arg14 : memref<128x128xf32, #tpu.memory_space<vmem>>) dst(%dma_wait3A_52 : memref<128x128xf32, #tpu.memory_space<vmem_shared>>)
    } else {
    }
    %barrier3A_40 = arith.constant 0 : index
    tpu.barrier barrier_id(%barrier3A_40)
    %scan3A_41 = arith.constant 0 : i32
    %scan3A_42 = arith.constant 0 : i32
    %scan3A_43 = arith.constant 5 : i32
    %scan3A_44 = arith.addi %scan3A_42, %scan3A_43 : i32
    %scan3A_45 = arith.constant 1 : i32
    scf.for %scan3A_47 = %scan3A_42 to %scan3A_44 step %scan3A_45  : i32 {
      %mul3A_48 = arith.constant 640 : i32
      %mul3A_49 = arith.muli %arg1, %mul3A_48 : i32
      %mul3A_50 = arith.constant 128 : i32
      %mul3A_51 = arith.muli %scan3A_47, %mul3A_50 : i32
      %add3A_52 = arith.addi %mul3A_49, %mul3A_51 : i32
      "tpu.region"() ({
        %run_scoped3A = tpu.sem_alloc : memref<!tpu.dma_semaphore, #tpu.memory_space<semaphore_mem>>
        %dma_start3A_53 = arith.constant 0 : i32
        %dma_start3A_54 = tpu.memref_slice %arg17[%add3A_52, %dma_start3A_53] : memref<10240x128xf32, #tpu.memory_space<vmem_shared>> -> memref<128x128xf32, #tpu.memory_space<vmem_shared>>
        %dma_start3A_55 = arith.constant 0 : i32
        %dma_start3A_56 = tpu.memref_slice %arg17[%add3A_52, %dma_start3A_55] : memref<10240x128xf32, #tpu.memory_space<vmem_shared>> -> memref<128x128xf32, #tpu.memory_space<vmem_shared>>
        tpu.enqueue_dma source(%dma_start3A_56 : memref<128x128xf32, #tpu.memory_space<vmem_shared>>) target(%arg14 : memref<128x128xf32, #tpu.memory_space<vmem>>) target_semaphore(%run_scoped3A : memref<!tpu.dma_semaphore, #tpu.memory_space<semaphore_mem>>)
        %dma_wait3A_57 = arith.constant 0 : i32
        %dma_wait3A_58 = tpu.memref_slice %arg17[%add3A_52, %dma_wait3A_57] : memref<10240x128xf32, #tpu.memory_space<vmem_shared>> -> memref<128x128xf32, #tpu.memory_space<vmem_shared>>
        %dma_wait3A_59 = arith.constant 0 : i32
        %dma_wait3A_60 = tpu.memref_slice %arg17[%add3A_52, %dma_wait3A_59] : memref<10240x128xf32, #tpu.memory_space<vmem_shared>> -> memref<128x128xf32, #tpu.memory_space<vmem_shared>>
        tpu.wait_dma2 semaphore(%run_scoped3A : memref<!tpu.dma_semaphore, #tpu.memory_space<semaphore_mem>>) src(%dma_wait3A_60 : memref<128x128xf32, #tpu.memory_space<vmem_shared>>) dst(%arg14 : memref<128x128xf32, #tpu.memory_space<vmem>>)
        tpu.yield
      }) : () -> ()
      "tpu.region"() ({
        %run_scoped3A = tpu.sem_alloc : memref<!tpu.dma_semaphore, #tpu.memory_space<semaphore_mem>>
        %dma_start3A_53 = arith.constant 0 : i32
        %dma_start3A_54 = tpu.memref_slice %arg5[%arg0, %add3A_52, %dma_start3A_53] : memref<2x10240x128xf32, #tpu.memory_space<hbm>> -> memref<1x128x128xf32, #tpu.memory_space<hbm>>
        %dma_start3A_55 = tpu.memref_squeeze %dma_start3A_54 : memref<1x128x128xf32, #tpu.memory_space<hbm>> -> memref<128x128xf32, #tpu.memory_space<hbm>>
        %dma_start3A_56 = arith.constant 0 : i32
        %dma_start3A_57 = tpu.memref_slice %arg5[%arg0, %add3A_52, %dma_start3A_56] : memref<2x10240x128xf32, #tpu.memory_space<hbm>> -> memref<1x128x128xf32, #tpu.memory_space<hbm>>
        %dma_start3A_58 = tpu.memref_squeeze %dma_start3A_57 : memref<1x128x128xf32, #tpu.memory_space<hbm>> -> memref<128x128xf32, #tpu.memory_space<hbm>>
        tpu.enqueue_dma source(%arg14 : memref<128x128xf32, #tpu.memory_space<vmem>>) target(%dma_start3A_58 : memref<128x128xf32, #tpu.memory_space<hbm>>) target_semaphore(%run_scoped3A : memref<!tpu.dma_semaphore, #tpu.memory_space<semaphore_mem>>)
        %dma_wait3A_59 = arith.constant 0 : i32
        %dma_wait3A_60 = tpu.memref_slice %arg5[%arg0, %add3A_52, %dma_wait3A_59] : memref<2x10240x128xf32, #tpu.memory_space<hbm>> -> memref<1x128x128xf32, #tpu.memory_space<hbm>>
        %dma_wait3A_61 = tpu.memref_squeeze %dma_wait3A_60 : memref<1x128x128xf32, #tpu.memory_space<hbm>> -> memref<128x128xf32, #tpu.memory_space<hbm>>
        %dma_wait3A_62 = arith.constant 0 : i32
        %dma_wait3A_63 = tpu.memref_slice %arg5[%arg0, %add3A_52, %dma_wait3A_62] : memref<2x10240x128xf32, #tpu.memory_space<hbm>> -> memref<1x128x128xf32, #tpu.memory_space<hbm>>
        %dma_wait3A_64 = tpu.memref_squeeze %dma_wait3A_63 : memref<1x128x128xf32, #tpu.memory_space<hbm>> -> memref<128x128xf32, #tpu.memory_space<hbm>>
        tpu.wait_dma2 semaphore(%run_scoped3A : memref<!tpu.dma_semaphore, #tpu.memory_space<semaphore_mem>>) src(%arg14 : memref<128x128xf32, #tpu.memory_space<vmem>>) dst(%dma_wait3A_64 : memref<128x128xf32, #tpu.memory_space<hbm>>)
        tpu.yield
      }) : () -> ()
    }
    %scan3A_46 = arith.constant 5 : i32
    return
  }
}

#map = affine_map<(d0, d1) -> (0)>
#map1 = affine_map<(d0, d1) -> (0, 0, 0)>
module attributes {stable_mosaic.version = 14 : i64} {
  func.func @body(%arg0: i32, %arg1: i32, %arg2: memref<640000xi32, #tpu.memory_space<hbm>>, %arg3: memref<2x10240x16xf32, #tpu.memory_space<hbm>>, %arg4: memref<128xi32, #tpu.memory_space<vmem>>, %arg5: memref<128xi32, #tpu.memory_space<vmem>>, %arg6: memref<128xi32, #tpu.memory_space<vmem>>, %arg7: memref<128xi32, #tpu.memory_space<vmem>>, %arg8: memref<128x16xf32, #tpu.memory_space<vmem>>, %arg9: memref<128x16xf32, #tpu.memory_space<vmem>>, %arg10: memref<10240x16xf32, #tpu.memory_space<vmem_shared>>, %arg11: memref<!tpu.dma_semaphore, #tpu.memory_space<semaphore_mem>>, %arg12: memref<!tpu.dma_semaphore, #tpu.memory_space<semaphore_mem>>, %arg13: memref<!tpu.dma_semaphore, #tpu.memory_space<semaphore_mem>>, %arg14: memref<!tpu.dma_semaphore, #tpu.memory_space<semaphore_mem>>, %arg15: memref<!tpu.dma_semaphore, #tpu.memory_space<semaphore_mem>>, %arg16: memref<!tpu.dma_semaphore, #tpu.memory_space<semaphore_mem>>, %arg17: memref<!tpu.dma_semaphore, #tpu.memory_space<semaphore_mem>>, %arg18: memref<!tpu.dma_semaphore, #tpu.memory_space<semaphore_mem>>) attributes {dimension_semantics = [#tpu.dimension_semantics<core_parallel>, #tpu.dimension_semantics<subcore_parallel>], iteration_bounds = array<i64: 2, 16>, scalar_prefetch = 0 : i64, scratch_operands = 15 : i64, tpu.core_type = #tpu.core_type<sc_vector_subcore>, window_params = [{transform_indices = #map}, {transform_indices = #map1}]} {
    %mul3A = arith.constant 2 : i32
    %mul3A_0 = arith.muli %arg1, %mul3A : i32
    %add3A = arith.addi %mul3A_0, %arg0 : i32
    %scan3A = arith.constant 0 : i32
    %scan3A_1 = arith.constant 0 : i32
    %scan3A_2 = arith.constant 128 : i32
    %scan3A_3 = arith.addi %scan3A_1, %scan3A_2 : i32
    %scan3A_4 = arith.constant 1 : i32
    scf.for %scan3A_58 = %scan3A_1 to %scan3A_3 step %scan3A_4  : i32 {
      %broadcast_in_dim3A = arith.constant 1.000000e+00 : f32
      %broadcast_in_dim3A_59 = vector.broadcast %broadcast_in_dim3A : f32 to vector<16xf32>
      %swap3A = arith.index_cast %scan3A_58 : i32 to index
      %swap3A_60 = arith.constant 0 : index
      %swap3A_61 = tpu.vector_load %arg8[%swap3A, %swap3A_60] {strides = array<i32>} : memref<128x16xf32, #tpu.memory_space<vmem>>, vector<1x16xf32>,
      %swap3A_62 = vector.shape_cast %swap3A_61 : vector<1x16xf32> to vector<16xf32>
      %swap3A_63 = vector.shape_cast %broadcast_in_dim3A_59 : vector<16xf32> to vector<1x16xf32>
      tpu.vector_store %arg8[%swap3A, %swap3A_60], %swap3A_63 {strides = array<i32>} : memref<128x16xf32, #tpu.memory_space<vmem>>, vector<1x16xf32>,
      %broadcast_in_dim3A_64 = arith.constant 0.000000e+00 : f32
      %broadcast_in_dim3A_65 = vector.broadcast %broadcast_in_dim3A_64 : f32 to vector<16xf32>
      %swap3A_66 = arith.index_cast %scan3A_58 : i32 to index
      %swap3A_67 = arith.constant 0 : index
      %swap3A_68 = tpu.vector_load %arg9[%swap3A_66, %swap3A_67] {strides = array<i32>} : memref<128x16xf32, #tpu.memory_space<vmem>>, vector<1x16xf32>,
      %swap3A_69 = vector.shape_cast %swap3A_68 : vector<1x16xf32> to vector<16xf32>
      %swap3A_70 = vector.shape_cast %broadcast_in_dim3A_65 : vector<16xf32> to vector<1x16xf32>
      tpu.vector_store %arg9[%swap3A_66, %swap3A_67], %swap3A_70 {strides = array<i32>} : memref<128x16xf32, #tpu.memory_space<vmem>>, vector<1x16xf32>,
    }
    %scan3A_5 = arith.constant 128 : i32
    %scan3A_6 = arith.constant 0 : i32
    %scan3A_7 = arith.constant 0 : i32
    %scan3A_8 = arith.constant 5 : i32
    %scan3A_9 = arith.addi %scan3A_7, %scan3A_8 : i32
    %scan3A_10 = arith.constant 1 : i32
    scf.for %scan3A_58 = %scan3A_7 to %scan3A_9 step %scan3A_10  : i32 {
      %mul3A_59 = arith.constant 640 : i32
      %mul3A_60 = arith.muli %arg1, %mul3A_59 : i32
      %mul3A_61 = arith.constant 128 : i32
      %mul3A_62 = arith.muli %scan3A_58, %mul3A_61 : i32
      %add3A_63 = arith.addi %mul3A_60, %mul3A_62 : i32
      "tpu.region"() ({
        %run_scoped3A = tpu.sem_alloc : memref<!tpu.dma_semaphore, #tpu.memory_space<semaphore_mem>>
        %dma_start3A_64 = arith.constant 0 : i32
        %dma_start3A_65 = tpu.memref_slice %arg10[%add3A_63, %dma_start3A_64] : memref<10240x16xf32, #tpu.memory_space<vmem_shared>> -> memref<128x16xf32, #tpu.memory_space<vmem_shared>>
        %dma_start3A_66 = arith.constant 0 : i32
        %dma_start3A_67 = tpu.memref_slice %arg10[%add3A_63, %dma_start3A_66] : memref<10240x16xf32, #tpu.memory_space<vmem_shared>> -> memref<128x16xf32, #tpu.memory_space<vmem_shared>>
        tpu.enqueue_dma source(%arg9 : memref<128x16xf32, #tpu.memory_space<vmem>>) target(%dma_start3A_67 : memref<128x16xf32, #tpu.memory_space<vmem_shared>>) target_semaphore(%run_scoped3A : memref<!tpu.dma_semaphore, #tpu.memory_space<semaphore_mem>>)
        %dma_wait3A_68 = arith.constant 0 : i32
        %dma_wait3A_69 = tpu.memref_slice %arg10[%add3A_63, %dma_wait3A_68] : memref<10240x16xf32, #tpu.memory_space<vmem_shared>> -> memref<128x16xf32, #tpu.memory_space<vmem_shared>>
        %dma_wait3A_70 = arith.constant 0 : i32
        %dma_wait3A_71 = tpu.memref_slice %arg10[%add3A_63, %dma_wait3A_70] : memref<10240x16xf32, #tpu.memory_space<vmem_shared>> -> memref<128x16xf32, #tpu.memory_space<vmem_shared>>
        tpu.wait_dma2 semaphore(%run_scoped3A : memref<!tpu.dma_semaphore, #tpu.memory_space<semaphore_mem>>) src(%arg9 : memref<128x16xf32, #tpu.memory_space<vmem>>) dst(%dma_wait3A_71 : memref<128x16xf32, #tpu.memory_space<vmem_shared>>)
        tpu.yield
      }) : () -> ()
    }
    %scan3A_11 = arith.constant 5 : i32
    %barrier3A = arith.constant 0 : index
    tpu.barrier barrier_id(%barrier3A)
    %mul3A_12 = arith.constant 128 : i32
    %mul3A_13 = arith.muli %add3A, %mul3A_12 : i32
    %add3A_14 = arith.constant 320000 : i32
    %add3A_15 = arith.addi %add3A_14, %mul3A_13 : i32
    "tpu.region"() ({
      %run_scoped3A = tpu.sem_alloc : memref<!tpu.dma_semaphore, #tpu.memory_space<semaphore_mem>>
      %dma_start3A_58 = tpu.memref_slice %arg2[%add3A_15] : memref<640000xi32, #tpu.memory_space<hbm>> -> memref<128xi32, #tpu.memory_space<hbm>>
      %dma_start3A_59 = tpu.memref_slice %arg2[%add3A_15] : memref<640000xi32, #tpu.memory_space<hbm>> -> memref<128xi32, #tpu.memory_space<hbm>>
      tpu.enqueue_dma source(%dma_start3A_59 : memref<128xi32, #tpu.memory_space<hbm>>) target(%arg4 : memref<128xi32, #tpu.memory_space<vmem>>) target_semaphore(%run_scoped3A : memref<!tpu.dma_semaphore, #tpu.memory_space<semaphore_mem>>)
      %dma_wait3A_60 = tpu.memref_slice %arg2[%add3A_15] : memref<640000xi32, #tpu.memory_space<hbm>> -> memref<128xi32, #tpu.memory_space<hbm>>
      %dma_wait3A_61 = tpu.memref_slice %arg2[%add3A_15] : memref<640000xi32, #tpu.memory_space<hbm>> -> memref<128xi32, #tpu.memory_space<hbm>>
      tpu.wait_dma2 semaphore(%run_scoped3A : memref<!tpu.dma_semaphore, #tpu.memory_space<semaphore_mem>>) src(%dma_wait3A_61 : memref<128xi32, #tpu.memory_space<hbm>>) dst(%arg4 : memref<128xi32, #tpu.memory_space<vmem>>)
      tpu.yield
    }) : () -> ()
    %add3A_16 = arith.constant 32 : i32
    %add3A_17 = arith.addi %add3A_16, %add3A : i32
    %min3A = arith.constant 2499 : i32
    %min3A_18 = arith.minsi %add3A_17, %min3A : i32
    %mul3A_19 = arith.constant 128 : i32
    %mul3A_20 = arith.muli %min3A_18, %mul3A_19 : i32
    %add3A_21 = arith.constant 320000 : i32
    %add3A_22 = arith.addi %add3A_21, %mul3A_20 : i32
    %dma_start3A = tpu.memref_slice %arg2[%add3A_22] : memref<640000xi32, #tpu.memory_space<hbm>> -> memref<128xi32, #tpu.memory_space<hbm>>
    %dma_start3A_23 = tpu.memref_slice %arg2[%add3A_22] : memref<640000xi32, #tpu.memory_space<hbm>> -> memref<128xi32, #tpu.memory_space<hbm>>
    tpu.enqueue_dma source(%dma_start3A_23 : memref<128xi32, #tpu.memory_space<hbm>>) target(%arg5 : memref<128xi32, #tpu.memory_space<vmem>>) target_semaphore(%arg12 : memref<!tpu.dma_semaphore, #tpu.memory_space<semaphore_mem>>)
    %scan3A_24 = arith.constant 0 : i32
    %scan3A_25 = arith.constant 0 : i32
    %scan3A_26 = arith.constant 20 : i32
    %scan3A_27 = arith.addi %scan3A_25, %scan3A_26 : i32
    %scan3A_28 = arith.constant 1 : i32
    scf.for %scan3A_58 = %scan3A_25 to %scan3A_27 step %scan3A_28  : i32 {
      %mul3A_59 = arith.constant 4 : i32
      %mul3A_60 = arith.muli %mul3A_59, %scan3A_58 : i32
      %add3A_61 = arith.constant 0 : i32
      %add3A_62 = arith.addi %mul3A_60, %add3A_61 : i32
      %lt3A_63 = arith.constant 79 : i32
      %lt3A_64 = arith.cmpi slt, %add3A_62, %lt3A_63 : i32
      %convert_element_type3A_65 = arith.extui %lt3A_64 : i1 to i32
      %cond3A_66 = arith.constant 0 : i32
      %cond3A_67 = arith.cmpi ne, %convert_element_type3A_65, %cond3A_66 : i32
      scf.if %cond3A_67 {
        %ge3A = arith.constant 1 : i32
        %ge3A_89 = arith.cmpi sge, %add3A_62, %ge3A : i32
        %convert_element_type3A_90 = arith.extui %ge3A_89 : i1 to i32
        %cond3A_91 = arith.constant 0 : i32
        %cond3A_92 = arith.cmpi ne, %convert_element_type3A_90, %cond3A_91 : i32
        scf.if %cond3A_92 {
          %dma_wait3A_108 = arith.constant 0 : i32
          %dma_wait3A_109 = tpu.memref_slice %arg2[%dma_wait3A_108] : memref<640000xi32, #tpu.memory_space<hbm>> -> memref<128xi32, #tpu.memory_space<hbm>>
          %dma_wait3A_110 = arith.constant 0 : i32
          %dma_wait3A_111 = tpu.memref_slice %arg2[%dma_wait3A_110] : memref<640000xi32, #tpu.memory_space<hbm>> -> memref<128xi32, #tpu.memory_space<hbm>>
          tpu.wait_dma2 semaphore(%arg11 : memref<!tpu.dma_semaphore, #tpu.memory_space<semaphore_mem>>) src(%dma_wait3A_111 : memref<128xi32, #tpu.memory_space<hbm>>) dst(%arg4 : memref<128xi32, #tpu.memory_space<vmem>>)
        } else {
        }
        %mul3A_93 = arith.constant 32 : i32
        %mul3A_94 = arith.muli %add3A_62, %mul3A_93 : i32
        %add3A_95 = arith.addi %mul3A_94, %add3A : i32
        %lt3A_96 = arith.constant 2500 : i32
        %lt3A_97 = arith.cmpi slt, %add3A_95, %lt3A_96 : i32
        %convert_element_type3A_98 = arith.extui %lt3A_97 : i1 to i32
        %cond3A_99 = arith.constant 0 : i32
        %cond3A_100 = arith.cmpi ne, %convert_element_type3A_98, %cond3A_99 : i32
        scf.if %cond3A_100 {
          %dma_start3A_108 = arith.constant 0 : i32
          %dma_start3A_109 = arith.constant 0 : i32
          %dma_start3A_110 = tpu.memref_slice %arg10[%dma_start3A_108, %dma_start3A_109] : memref<10240x16xf32, #tpu.memory_space<vmem_shared>> -> memref<10240x16xf32, #tpu.memory_space<vmem_shared>>
          tpu.enqueue_indirect_dma source(%arg8 : memref<128x16xf32, #tpu.memory_space<vmem>>) target(%dma_start3A_110 : memref<10240x16xf32, #tpu.memory_space<vmem_shared>>) offsets(%arg4 : memref<128xi32, #tpu.memory_space<vmem>>) semaphore(%arg15 : memref<!tpu.dma_semaphore, #tpu.memory_space<semaphore_mem>>) {add = true}
        } else {
        }
        %add3A_101 = arith.constant 2 : i32
        %add3A_102 = arith.addi %add3A_62, %add3A_101 : i32
        %lt3A_103 = arith.constant 79 : i32
        %lt3A_104 = arith.cmpi slt, %add3A_102, %lt3A_103 : i32
        %convert_element_type3A_105 = arith.extui %lt3A_104 : i1 to i32
        %cond3A_106 = arith.constant 0 : i32
        %cond3A_107 = arith.cmpi ne, %convert_element_type3A_105, %cond3A_106 : i32
        scf.if %cond3A_107 {
          %ge3A_108 = arith.constant 2 : i32
          %ge3A_109 = arith.cmpi sge, %add3A_62, %ge3A_108 : i32
          %convert_element_type3A_110 = arith.extui %ge3A_109 : i1 to i32
          %cond3A_111 = arith.constant 0 : i32
          %cond3A_112 = arith.cmpi ne, %convert_element_type3A_110, %cond3A_111 : i32
          scf.if %cond3A_112 {
            %dma_wait3A_126 = arith.constant 0 : i32
            %dma_wait3A_127 = arith.constant 0 : i32
            %dma_wait3A_128 = tpu.memref_slice %arg10[%dma_wait3A_126, %dma_wait3A_127] : memref<10240x16xf32, #tpu.memory_space<vmem_shared>> -> memref<128x16xf32, #tpu.memory_space<vmem_shared>>
            %dma_wait3A_129 = arith.constant 0 : i32
            %dma_wait3A_130 = arith.constant 0 : i32
            %dma_wait3A_131 = tpu.memref_slice %arg10[%dma_wait3A_129, %dma_wait3A_130] : memref<10240x16xf32, #tpu.memory_space<vmem_shared>> -> memref<128x16xf32, #tpu.memory_space<vmem_shared>>
            tpu.wait_dma2 semaphore(%arg17 : memref<!tpu.dma_semaphore, #tpu.memory_space<semaphore_mem>>) src(%arg8 : memref<128x16xf32, #tpu.memory_space<vmem>>) dst(%dma_wait3A_131 : memref<128x16xf32, #tpu.memory_space<vmem_shared>>)
          } else {
          }
          %add3A_113 = arith.constant 2 : i32
          %add3A_114 = arith.addi %add3A_62, %add3A_113 : i32
          %mul3A_115 = arith.constant 32 : i32
          %mul3A_116 = arith.muli %add3A_114, %mul3A_115 : i32
          %add3A_117 = arith.addi %mul3A_116, %add3A : i32
          %min3A_118 = arith.constant 2499 : i32
          %min3A_119 = arith.minsi %add3A_117, %min3A_118 : i32
          %mul3A_120 = arith.constant 128 : i32
          %mul3A_121 = arith.muli %min3A_119, %mul3A_120 : i32
          %add3A_122 = arith.constant 320000 : i32
          %add3A_123 = arith.addi %add3A_122, %mul3A_121 : i32
          %dma_start3A_124 = tpu.memref_slice %arg2[%add3A_123] : memref<640000xi32, #tpu.memory_space<hbm>> -> memref<128xi32, #tpu.memory_space<hbm>>
          %dma_start3A_125 = tpu.memref_slice %arg2[%add3A_123] : memref<640000xi32, #tpu.memory_space<hbm>> -> memref<128xi32, #tpu.memory_space<hbm>>
          tpu.enqueue_dma source(%dma_start3A_125 : memref<128xi32, #tpu.memory_space<hbm>>) target(%arg6 : memref<128xi32, #tpu.memory_space<vmem>>) target_semaphore(%arg13 : memref<!tpu.dma_semaphore, #tpu.memory_space<semaphore_mem>>)
        } else {
        }
      } else {
      }
      %add3A_68 = arith.constant 1 : i32
      %add3A_69 = arith.addi %mul3A_60, %add3A_68 : i32
      %lt3A_70 = arith.constant 79 : i32
      %lt3A_71 = arith.cmpi slt, %add3A_69, %lt3A_70 : i32
      %convert_element_type3A_72 = arith.extui %lt3A_71 : i1 to i32
      %cond3A_73 = arith.constant 0 : i32
      %cond3A_74 = arith.cmpi ne, %convert_element_type3A_72, %cond3A_73 : i32
      scf.if %cond3A_74 {
        %ge3A = arith.constant 1 : i32
        %ge3A_89 = arith.cmpi sge, %add3A_69, %ge3A : i32
        %convert_element_type3A_90 = arith.extui %ge3A_89 : i1 to i32
        %cond3A_91 = arith.constant 0 : i32
        %cond3A_92 = arith.cmpi ne, %convert_element_type3A_90, %cond3A_91 : i32
        scf.if %cond3A_92 {
          %dma_wait3A_108 = arith.constant 0 : i32
          %dma_wait3A_109 = tpu.memref_slice %arg2[%dma_wait3A_108] : memref<640000xi32, #tpu.memory_space<hbm>> -> memref<128xi32, #tpu.memory_space<hbm>>
          %dma_wait3A_110 = arith.constant 0 : i32
          %dma_wait3A_111 = tpu.memref_slice %arg2[%dma_wait3A_110] : memref<640000xi32, #tpu.memory_space<hbm>> -> memref<128xi32, #tpu.memory_space<hbm>>
          tpu.wait_dma2 semaphore(%arg12 : memref<!tpu.dma_semaphore, #tpu.memory_space<semaphore_mem>>) src(%dma_wait3A_111 : memref<128xi32, #tpu.memory_space<hbm>>) dst(%arg5 : memref<128xi32, #tpu.memory_space<vmem>>)
        } else {
        }
        %mul3A_93 = arith.constant 32 : i32
        %mul3A_94 = arith.muli %add3A_69, %mul3A_93 : i32
        %add3A_95 = arith.addi %mul3A_94, %add3A : i32
        %lt3A_96 = arith.constant 2500 : i32
        %lt3A_97 = arith.cmpi slt, %add3A_95, %lt3A_96 : i32
        %convert_element_type3A_98 = arith.extui %lt3A_97 : i1 to i32
        %cond3A_99 = arith.constant 0 : i32
        %cond3A_100 = arith.cmpi ne, %convert_element_type3A_98, %cond3A_99 : i32
        scf.if %cond3A_100 {
          %dma_start3A_108 = arith.constant 0 : i32
          %dma_start3A_109 = arith.constant 0 : i32
          %dma_start3A_110 = tpu.memref_slice %arg10[%dma_start3A_108, %dma_start3A_109] : memref<10240x16xf32, #tpu.memory_space<vmem_shared>> -> memref<10240x16xf32, #tpu.memory_space<vmem_shared>>
          tpu.enqueue_indirect_dma source(%arg8 : memref<128x16xf32, #tpu.memory_space<vmem>>) target(%dma_start3A_110 : memref<10240x16xf32, #tpu.memory_space<vmem_shared>>) offsets(%arg5 : memref<128xi32, #tpu.memory_space<vmem>>) semaphore(%arg16 : memref<!tpu.dma_semaphore, #tpu.memory_space<semaphore_mem>>) {add = true}
        } else {
        }
        %add3A_101 = arith.constant 2 : i32
        %add3A_102 = arith.addi %add3A_69, %add3A_101 : i32
        %lt3A_103 = arith.constant 79 : i32
        %lt3A_104 = arith.cmpi slt, %add3A_102, %lt3A_103 : i32
        %convert_element_type3A_105 = arith.extui %lt3A_104 : i1 to i32
        %cond3A_106 = arith.constant 0 : i32
        %cond3A_107 = arith.cmpi ne, %convert_element_type3A_105, %cond3A_106 : i32
        scf.if %cond3A_107 {
          %ge3A_108 = arith.constant 2 : i32
          %ge3A_109 = arith.cmpi sge, %add3A_69, %ge3A_108 : i32
          %convert_element_type3A_110 = arith.extui %ge3A_109 : i1 to i32
          %cond3A_111 = arith.constant 0 : i32
          %cond3A_112 = arith.cmpi ne, %convert_element_type3A_110, %cond3A_111 : i32
          scf.if %cond3A_112 {
            %dma_wait3A_126 = arith.constant 0 : i32
            %dma_wait3A_127 = arith.constant 0 : i32
            %dma_wait3A_128 = tpu.memref_slice %arg10[%dma_wait3A_126, %dma_wait3A_127] : memref<10240x16xf32, #tpu.memory_space<vmem_shared>> -> memref<128x16xf32, #tpu.memory_space<vmem_shared>>
            %dma_wait3A_129 = arith.constant 0 : i32
            %dma_wait3A_130 = arith.constant 0 : i32
            %dma_wait3A_131 = tpu.memref_slice %arg10[%dma_wait3A_129, %dma_wait3A_130] : memref<10240x16xf32, #tpu.memory_space<vmem_shared>> -> memref<128x16xf32, #tpu.memory_space<vmem_shared>>
            tpu.wait_dma2 semaphore(%arg18 : memref<!tpu.dma_semaphore, #tpu.memory_space<semaphore_mem>>) src(%arg8 : memref<128x16xf32, #tpu.memory_space<vmem>>) dst(%dma_wait3A_131 : memref<128x16xf32, #tpu.memory_space<vmem_shared>>)
          } else {
          }
          %add3A_113 = arith.constant 2 : i32
          %add3A_114 = arith.addi %add3A_69, %add3A_113 : i32
          %mul3A_115 = arith.constant 32 : i32
          %mul3A_116 = arith.muli %add3A_114, %mul3A_115 : i32
          %add3A_117 = arith.addi %mul3A_116, %add3A : i32
          %min3A_118 = arith.constant 2499 : i32
          %min3A_119 = arith.minsi %add3A_117, %min3A_118 : i32
          %mul3A_120 = arith.constant 128 : i32
          %mul3A_121 = arith.muli %min3A_119, %mul3A_120 : i32
          %add3A_122 = arith.constant 320000 : i32
          %add3A_123 = arith.addi %add3A_122, %mul3A_121 : i32
          %dma_start3A_124 = tpu.memref_slice %arg2[%add3A_123] : memref<640000xi32, #tpu.memory_space<hbm>> -> memref<128xi32, #tpu.memory_space<hbm>>
          %dma_start3A_125 = tpu.memref_slice %arg2[%add3A_123] : memref<640000xi32, #tpu.memory_space<hbm>> -> memref<128xi32, #tpu.memory_space<hbm>>
          tpu.enqueue_dma source(%dma_start3A_125 : memref<128xi32, #tpu.memory_space<hbm>>) target(%arg7 : memref<128xi32, #tpu.memory_space<vmem>>) target_semaphore(%arg14 : memref<!tpu.dma_semaphore, #tpu.memory_space<semaphore_mem>>)
        } else {
        }
      } else {
      }
      %add3A_75 = arith.constant 2 : i32
      %add3A_76 = arith.addi %mul3A_60, %add3A_75 : i32
      %lt3A_77 = arith.constant 79 : i32
      %lt3A_78 = arith.cmpi slt, %add3A_76, %lt3A_77 : i32
      %convert_element_type3A_79 = arith.extui %lt3A_78 : i1 to i32
      %cond3A_80 = arith.constant 0 : i32
      %cond3A_81 = arith.cmpi ne, %convert_element_type3A_79, %cond3A_80 : i32
      scf.if %cond3A_81 {
        %ge3A = arith.constant 1 : i32
        %ge3A_89 = arith.cmpi sge, %add3A_76, %ge3A : i32
        %convert_element_type3A_90 = arith.extui %ge3A_89 : i1 to i32
        %cond3A_91 = arith.constant 0 : i32
        %cond3A_92 = arith.cmpi ne, %convert_element_type3A_90, %cond3A_91 : i32
        scf.if %cond3A_92 {
          %dma_wait3A_108 = arith.constant 0 : i32
          %dma_wait3A_109 = tpu.memref_slice %arg2[%dma_wait3A_108] : memref<640000xi32, #tpu.memory_space<hbm>> -> memref<128xi32, #tpu.memory_space<hbm>>
          %dma_wait3A_110 = arith.constant 0 : i32
          %dma_wait3A_111 = tpu.memref_slice %arg2[%dma_wait3A_110] : memref<640000xi32, #tpu.memory_space<hbm>> -> memref<128xi32, #tpu.memory_space<hbm>>
          tpu.wait_dma2 semaphore(%arg13 : memref<!tpu.dma_semaphore, #tpu.memory_space<semaphore_mem>>) src(%dma_wait3A_111 : memref<128xi32, #tpu.memory_space<hbm>>) dst(%arg6 : memref<128xi32, #tpu.memory_space<vmem>>)
        } else {
        }
        %mul3A_93 = arith.constant 32 : i32
        %mul3A_94 = arith.muli %add3A_76, %mul3A_93 : i32
        %add3A_95 = arith.addi %mul3A_94, %add3A : i32
        %lt3A_96 = arith.constant 2500 : i32
        %lt3A_97 = arith.cmpi slt, %add3A_95, %lt3A_96 : i32
        %convert_element_type3A_98 = arith.extui %lt3A_97 : i1 to i32
        %cond3A_99 = arith.constant 0 : i32
        %cond3A_100 = arith.cmpi ne, %convert_element_type3A_98, %cond3A_99 : i32
        scf.if %cond3A_100 {
          %dma_start3A_108 = arith.constant 0 : i32
          %dma_start3A_109 = arith.constant 0 : i32
          %dma_start3A_110 = tpu.memref_slice %arg10[%dma_start3A_108, %dma_start3A_109] : memref<10240x16xf32, #tpu.memory_space<vmem_shared>> -> memref<10240x16xf32, #tpu.memory_space<vmem_shared>>
          tpu.enqueue_indirect_dma source(%arg8 : memref<128x16xf32, #tpu.memory_space<vmem>>) target(%dma_start3A_110 : memref<10240x16xf32, #tpu.memory_space<vmem_shared>>) offsets(%arg6 : memref<128xi32, #tpu.memory_space<vmem>>) semaphore(%arg17 : memref<!tpu.dma_semaphore, #tpu.memory_space<semaphore_mem>>) {add = true}
        } else {
        }
        %add3A_101 = arith.constant 2 : i32
        %add3A_102 = arith.addi %add3A_76, %add3A_101 : i32
        %lt3A_103 = arith.constant 79 : i32
        %lt3A_104 = arith.cmpi slt, %add3A_102, %lt3A_103 : i32
        %convert_element_type3A_105 = arith.extui %lt3A_104 : i1 to i32
        %cond3A_106 = arith.constant 0 : i32
        %cond3A_107 = arith.cmpi ne, %convert_element_type3A_105, %cond3A_106 : i32
        scf.if %cond3A_107 {
          %ge3A_108 = arith.constant 2 : i32
          %ge3A_109 = arith.cmpi sge, %add3A_76, %ge3A_108 : i32
          %convert_element_type3A_110 = arith.extui %ge3A_109 : i1 to i32
          %cond3A_111 = arith.constant 0 : i32
          %cond3A_112 = arith.cmpi ne, %convert_element_type3A_110, %cond3A_111 : i32
          scf.if %cond3A_112 {
            %dma_wait3A_126 = arith.constant 0 : i32
            %dma_wait3A_127 = arith.constant 0 : i32
            %dma_wait3A_128 = tpu.memref_slice %arg10[%dma_wait3A_126, %dma_wait3A_127] : memref<10240x16xf32, #tpu.memory_space<vmem_shared>> -> memref<128x16xf32, #tpu.memory_space<vmem_shared>>
            %dma_wait3A_129 = arith.constant 0 : i32
            %dma_wait3A_130 = arith.constant 0 : i32
            %dma_wait3A_131 = tpu.memref_slice %arg10[%dma_wait3A_129, %dma_wait3A_130] : memref<10240x16xf32, #tpu.memory_space<vmem_shared>> -> memref<128x16xf32, #tpu.memory_space<vmem_shared>>
            tpu.wait_dma2 semaphore(%arg15 : memref<!tpu.dma_semaphore, #tpu.memory_space<semaphore_mem>>) src(%arg8 : memref<128x16xf32, #tpu.memory_space<vmem>>) dst(%dma_wait3A_131 : memref<128x16xf32, #tpu.memory_space<vmem_shared>>)
          } else {
          }
          %add3A_113 = arith.constant 2 : i32
          %add3A_114 = arith.addi %add3A_76, %add3A_113 : i32
          %mul3A_115 = arith.constant 32 : i32
          %mul3A_116 = arith.muli %add3A_114, %mul3A_115 : i32
          %add3A_117 = arith.addi %mul3A_116, %add3A : i32
          %min3A_118 = arith.constant 2499 : i32
          %min3A_119 = arith.minsi %add3A_117, %min3A_118 : i32
          %mul3A_120 = arith.constant 128 : i32
          %mul3A_121 = arith.muli %min3A_119, %mul3A_120 : i32
          %add3A_122 = arith.constant 320000 : i32
          %add3A_123 = arith.addi %add3A_122, %mul3A_121 : i32
          %dma_start3A_124 = tpu.memref_slice %arg2[%add3A_123] : memref<640000xi32, #tpu.memory_space<hbm>> -> memref<128xi32, #tpu.memory_space<hbm>>
          %dma_start3A_125 = tpu.memref_slice %arg2[%add3A_123] : memref<640000xi32, #tpu.memory_space<hbm>> -> memref<128xi32, #tpu.memory_space<hbm>>
          tpu.enqueue_dma source(%dma_start3A_125 : memref<128xi32, #tpu.memory_space<hbm>>) target(%arg4 : memref<128xi32, #tpu.memory_space<vmem>>) target_semaphore(%arg11 : memref<!tpu.dma_semaphore, #tpu.memory_space<semaphore_mem>>)
        } else {
        }
      } else {
      }
      %add3A_82 = arith.constant 3 : i32
      %add3A_83 = arith.addi %mul3A_60, %add3A_82 : i32
      %lt3A_84 = arith.constant 79 : i32
      %lt3A_85 = arith.cmpi slt, %add3A_83, %lt3A_84 : i32
      %convert_element_type3A_86 = arith.extui %lt3A_85 : i1 to i32
      %cond3A_87 = arith.constant 0 : i32
      %cond3A_88 = arith.cmpi ne, %convert_element_type3A_86, %cond3A_87 : i32
      scf.if %cond3A_88 {
        %ge3A = arith.constant 1 : i32
        %ge3A_89 = arith.cmpi sge, %add3A_83, %ge3A : i32
        %convert_element_type3A_90 = arith.extui %ge3A_89 : i1 to i32
        %cond3A_91 = arith.constant 0 : i32
        %cond3A_92 = arith.cmpi ne, %convert_element_type3A_90, %cond3A_91 : i32
        scf.if %cond3A_92 {
          %dma_wait3A_108 = arith.constant 0 : i32
          %dma_wait3A_109 = tpu.memref_slice %arg2[%dma_wait3A_108] : memref<640000xi32, #tpu.memory_space<hbm>> -> memref<128xi32, #tpu.memory_space<hbm>>
          %dma_wait3A_110 = arith.constant 0 : i32
          %dma_wait3A_111 = tpu.memref_slice %arg2[%dma_wait3A_110] : memref<640000xi32, #tpu.memory_space<hbm>> -> memref<128xi32, #tpu.memory_space<hbm>>
          tpu.wait_dma2 semaphore(%arg14 : memref<!tpu.dma_semaphore, #tpu.memory_space<semaphore_mem>>) src(%dma_wait3A_111 : memref<128xi32, #tpu.memory_space<hbm>>) dst(%arg7 : memref<128xi32, #tpu.memory_space<vmem>>)
        } else {
        }
        %mul3A_93 = arith.constant 32 : i32
        %mul3A_94 = arith.muli %add3A_83, %mul3A_93 : i32
        %add3A_95 = arith.addi %mul3A_94, %add3A : i32
        %lt3A_96 = arith.constant 2500 : i32
        %lt3A_97 = arith.cmpi slt, %add3A_95, %lt3A_96 : i32
        %convert_element_type3A_98 = arith.extui %lt3A_97 : i1 to i32
        %cond3A_99 = arith.constant 0 : i32
        %cond3A_100 = arith.cmpi ne, %convert_element_type3A_98, %cond3A_99 : i32
        scf.if %cond3A_100 {
          %dma_start3A_108 = arith.constant 0 : i32
          %dma_start3A_109 = arith.constant 0 : i32
          %dma_start3A_110 = tpu.memref_slice %arg10[%dma_start3A_108, %dma_start3A_109] : memref<10240x16xf32, #tpu.memory_space<vmem_shared>> -> memref<10240x16xf32, #tpu.memory_space<vmem_shared>>
          tpu.enqueue_indirect_dma source(%arg8 : memref<128x16xf32, #tpu.memory_space<vmem>>) target(%dma_start3A_110 : memref<10240x16xf32, #tpu.memory_space<vmem_shared>>) offsets(%arg7 : memref<128xi32, #tpu.memory_space<vmem>>) semaphore(%arg18 : memref<!tpu.dma_semaphore, #tpu.memory_space<semaphore_mem>>) {add = true}
        } else {
        }
        %add3A_101 = arith.constant 2 : i32
        %add3A_102 = arith.addi %add3A_83, %add3A_101 : i32
        %lt3A_103 = arith.constant 79 : i32
        %lt3A_104 = arith.cmpi slt, %add3A_102, %lt3A_103 : i32
        %convert_element_type3A_105 = arith.extui %lt3A_104 : i1 to i32
        %cond3A_106 = arith.constant 0 : i32
        %cond3A_107 = arith.cmpi ne, %convert_element_type3A_105, %cond3A_106 : i32
        scf.if %cond3A_107 {
          %ge3A_108 = arith.constant 2 : i32
          %ge3A_109 = arith.cmpi sge, %add3A_83, %ge3A_108 : i32
          %convert_element_type3A_110 = arith.extui %ge3A_109 : i1 to i32
          %cond3A_111 = arith.constant 0 : i32
          %cond3A_112 = arith.cmpi ne, %convert_element_type3A_110, %cond3A_111 : i32
          scf.if %cond3A_112 {
            %dma_wait3A_126 = arith.constant 0 : i32
            %dma_wait3A_127 = arith.constant 0 : i32
            %dma_wait3A_128 = tpu.memref_slice %arg10[%dma_wait3A_126, %dma_wait3A_127] : memref<10240x16xf32, #tpu.memory_space<vmem_shared>> -> memref<128x16xf32, #tpu.memory_space<vmem_shared>>
            %dma_wait3A_129 = arith.constant 0 : i32
            %dma_wait3A_130 = arith.constant 0 : i32
            %dma_wait3A_131 = tpu.memref_slice %arg10[%dma_wait3A_129, %dma_wait3A_130] : memref<10240x16xf32, #tpu.memory_space<vmem_shared>> -> memref<128x16xf32, #tpu.memory_space<vmem_shared>>
            tpu.wait_dma2 semaphore(%arg16 : memref<!tpu.dma_semaphore, #tpu.memory_space<semaphore_mem>>) src(%arg8 : memref<128x16xf32, #tpu.memory_space<vmem>>) dst(%dma_wait3A_131 : memref<128x16xf32, #tpu.memory_space<vmem_shared>>)
          } else {
          }
          %add3A_113 = arith.constant 2 : i32
          %add3A_114 = arith.addi %add3A_83, %add3A_113 : i32
          %mul3A_115 = arith.constant 32 : i32
          %mul3A_116 = arith.muli %add3A_114, %mul3A_115 : i32
          %add3A_117 = arith.addi %mul3A_116, %add3A : i32
          %min3A_118 = arith.constant 2499 : i32
          %min3A_119 = arith.minsi %add3A_117, %min3A_118 : i32
          %mul3A_120 = arith.constant 128 : i32
          %mul3A_121 = arith.muli %min3A_119, %mul3A_120 : i32
          %add3A_122 = arith.constant 320000 : i32
          %add3A_123 = arith.addi %add3A_122, %mul3A_121 : i32
          %dma_start3A_124 = tpu.memref_slice %arg2[%add3A_123] : memref<640000xi32, #tpu.memory_space<hbm>> -> memref<128xi32, #tpu.memory_space<hbm>>
          %dma_start3A_125 = tpu.memref_slice %arg2[%add3A_123] : memref<640000xi32, #tpu.memory_space<hbm>> -> memref<128xi32, #tpu.memory_space<hbm>>
          tpu.enqueue_dma source(%dma_start3A_125 : memref<128xi32, #tpu.memory_space<hbm>>) target(%arg5 : memref<128xi32, #tpu.memory_space<vmem>>) target_semaphore(%arg12 : memref<!tpu.dma_semaphore, #tpu.memory_space<semaphore_mem>>)
        } else {
        }
      } else {
      }
    }
    %scan3A_29 = arith.constant 20 : i32
    %dma_wait3A = arith.constant 0 : i32
    %dma_wait3A_30 = arith.constant 0 : i32
    %dma_wait3A_31 = tpu.memref_slice %arg10[%dma_wait3A, %dma_wait3A_30] : memref<10240x16xf32, #tpu.memory_space<vmem_shared>> -> memref<128x16xf32, #tpu.memory_space<vmem_shared>>
    %dma_wait3A_32 = arith.constant 0 : i32
    %dma_wait3A_33 = arith.constant 0 : i32
    %dma_wait3A_34 = tpu.memref_slice %arg10[%dma_wait3A_32, %dma_wait3A_33] : memref<10240x16xf32, #tpu.memory_space<vmem_shared>> -> memref<128x16xf32, #tpu.memory_space<vmem_shared>>
    tpu.wait_dma2 semaphore(%arg18 : memref<!tpu.dma_semaphore, #tpu.memory_space<semaphore_mem>>) src(%arg8 : memref<128x16xf32, #tpu.memory_space<vmem>>) dst(%dma_wait3A_34 : memref<128x16xf32, #tpu.memory_space<vmem_shared>>)
    %dma_wait3A_35 = arith.constant 0 : i32
    %dma_wait3A_36 = arith.constant 0 : i32
    %dma_wait3A_37 = tpu.memref_slice %arg10[%dma_wait3A_35, %dma_wait3A_36] : memref<10240x16xf32, #tpu.memory_space<vmem_shared>> -> memref<128x16xf32, #tpu.memory_space<vmem_shared>>
    %dma_wait3A_38 = arith.constant 0 : i32
    %dma_wait3A_39 = arith.constant 0 : i32
    %dma_wait3A_40 = tpu.memref_slice %arg10[%dma_wait3A_38, %dma_wait3A_39] : memref<10240x16xf32, #tpu.memory_space<vmem_shared>> -> memref<128x16xf32, #tpu.memory_space<vmem_shared>>
    tpu.wait_dma2 semaphore(%arg15 : memref<!tpu.dma_semaphore, #tpu.memory_space<semaphore_mem>>) src(%arg8 : memref<128x16xf32, #tpu.memory_space<vmem>>) dst(%dma_wait3A_40 : memref<128x16xf32, #tpu.memory_space<vmem_shared>>)
    %dma_wait3A_41 = arith.constant 0 : i32
    %dma_wait3A_42 = arith.constant 0 : i32
    %dma_wait3A_43 = tpu.memref_slice %arg10[%dma_wait3A_41, %dma_wait3A_42] : memref<10240x16xf32, #tpu.memory_space<vmem_shared>> -> memref<128x16xf32, #tpu.memory_space<vmem_shared>>
    %dma_wait3A_44 = arith.constant 0 : i32
    %dma_wait3A_45 = arith.constant 0 : i32
    %dma_wait3A_46 = tpu.memref_slice %arg10[%dma_wait3A_44, %dma_wait3A_45] : memref<10240x16xf32, #tpu.memory_space<vmem_shared>> -> memref<128x16xf32, #tpu.memory_space<vmem_shared>>
    tpu.wait_dma2 semaphore(%arg16 : memref<!tpu.dma_semaphore, #tpu.memory_space<semaphore_mem>>) src(%arg8 : memref<128x16xf32, #tpu.memory_space<vmem>>) dst(%dma_wait3A_46 : memref<128x16xf32, #tpu.memory_space<vmem_shared>>)
    %add3A_47 = arith.constant 2496 : i32
    %add3A_48 = arith.addi %add3A_47, %add3A : i32
    %lt3A = arith.constant 2500 : i32
    %lt3A_49 = arith.cmpi slt, %add3A_48, %lt3A : i32
    %convert_element_type3A = arith.extui %lt3A_49 : i1 to i32
    %cond3A = arith.constant 0 : i32
    %cond3A_50 = arith.cmpi ne, %convert_element_type3A, %cond3A : i32
    scf.if %cond3A_50 {
      %dma_wait3A_58 = arith.constant 0 : i32
      %dma_wait3A_59 = arith.constant 0 : i32
      %dma_wait3A_60 = tpu.memref_slice %arg10[%dma_wait3A_58, %dma_wait3A_59] : memref<10240x16xf32, #tpu.memory_space<vmem_shared>> -> memref<128x16xf32, #tpu.memory_space<vmem_shared>>
      %dma_wait3A_61 = arith.constant 0 : i32
      %dma_wait3A_62 = arith.constant 0 : i32
      %dma_wait3A_63 = tpu.memref_slice %arg10[%dma_wait3A_61, %dma_wait3A_62] : memref<10240x16xf32, #tpu.memory_space<vmem_shared>> -> memref<128x16xf32, #tpu.memory_space<vmem_shared>>
      tpu.wait_dma2 semaphore(%arg17 : memref<!tpu.dma_semaphore, #tpu.memory_space<semaphore_mem>>) src(%arg8 : memref<128x16xf32, #tpu.memory_space<vmem>>) dst(%dma_wait3A_63 : memref<128x16xf32, #tpu.memory_space<vmem_shared>>)
    } else {
    }
    %barrier3A_51 = arith.constant 0 : index
    tpu.barrier barrier_id(%barrier3A_51)
    %scan3A_52 = arith.constant 0 : i32
    %scan3A_53 = arith.constant 0 : i32
    %scan3A_54 = arith.constant 5 : i32
    %scan3A_55 = arith.addi %scan3A_53, %scan3A_54 : i32
    %scan3A_56 = arith.constant 1 : i32
    scf.for %scan3A_58 = %scan3A_53 to %scan3A_55 step %scan3A_56  : i32 {
      %mul3A_59 = arith.constant 640 : i32
      %mul3A_60 = arith.muli %arg1, %mul3A_59 : i32
      %mul3A_61 = arith.constant 128 : i32
      %mul3A_62 = arith.muli %scan3A_58, %mul3A_61 : i32
      %add3A_63 = arith.addi %mul3A_60, %mul3A_62 : i32
      "tpu.region"() ({
        %run_scoped3A = tpu.sem_alloc : memref<!tpu.dma_semaphore, #tpu.memory_space<semaphore_mem>>
        %dma_start3A_64 = arith.constant 0 : i32
        %dma_start3A_65 = tpu.memref_slice %arg10[%add3A_63, %dma_start3A_64] : memref<10240x16xf32, #tpu.memory_space<vmem_shared>> -> memref<128x16xf32, #tpu.memory_space<vmem_shared>>
        %dma_start3A_66 = arith.constant 0 : i32
        %dma_start3A_67 = tpu.memref_slice %arg10[%add3A_63, %dma_start3A_66] : memref<10240x16xf32, #tpu.memory_space<vmem_shared>> -> memref<128x16xf32, #tpu.memory_space<vmem_shared>>
        tpu.enqueue_dma source(%dma_start3A_67 : memref<128x16xf32, #tpu.memory_space<vmem_shared>>) target(%arg9 : memref<128x16xf32, #tpu.memory_space<vmem>>) target_semaphore(%run_scoped3A : memref<!tpu.dma_semaphore, #tpu.memory_space<semaphore_mem>>)
        %dma_wait3A_68 = arith.constant 0 : i32
        %dma_wait3A_69 = tpu.memref_slice %arg10[%add3A_63, %dma_wait3A_68] : memref<10240x16xf32, #tpu.memory_space<vmem_shared>> -> memref<128x16xf32, #tpu.memory_space<vmem_shared>>
        %dma_wait3A_70 = arith.constant 0 : i32
        %dma_wait3A_71 = tpu.memref_slice %arg10[%add3A_63, %dma_wait3A_70] : memref<10240x16xf32, #tpu.memory_space<vmem_shared>> -> memref<128x16xf32, #tpu.memory_space<vmem_shared>>
        tpu.wait_dma2 semaphore(%run_scoped3A : memref<!tpu.dma_semaphore, #tpu.memory_space<semaphore_mem>>) src(%dma_wait3A_71 : memref<128x16xf32, #tpu.memory_space<vmem_shared>>) dst(%arg9 : memref<128x16xf32, #tpu.memory_space<vmem>>)
        tpu.yield
      }) : () -> ()
      "tpu.region"() ({
        %run_scoped3A = tpu.sem_alloc : memref<!tpu.dma_semaphore, #tpu.memory_space<semaphore_mem>>
        %dma_start3A_64 = arith.constant 0 : i32
        %dma_start3A_65 = tpu.memref_slice %arg3[%arg0, %add3A_63, %dma_start3A_64] : memref<2x10240x16xf32, #tpu.memory_space<hbm>> -> memref<1x128x16xf32, #tpu.memory_space<hbm>>
        %dma_start3A_66 = tpu.memref_squeeze %dma_start3A_65 : memref<1x128x16xf32, #tpu.memory_space<hbm>> -> memref<128x16xf32, #tpu.memory_space<hbm>>
        %dma_start3A_67 = arith.constant 0 : i32
        %dma_start3A_68 = tpu.memref_slice %arg3[%arg0, %add3A_63, %dma_start3A_67] : memref<2x10240x16xf32, #tpu.memory_space<hbm>> -> memref<1x128x16xf32, #tpu.memory_space<hbm>>
        %dma_start3A_69 = tpu.memref_squeeze %dma_start3A_68 : memref<1x128x16xf32, #tpu.memory_space<hbm>> -> memref<128x16xf32, #tpu.memory_space<hbm>>
        tpu.enqueue_dma source(%arg9 : memref<128x16xf32, #tpu.memory_space<vmem>>) target(%dma_start3A_69 : memref<128x16xf32, #tpu.memory_space<hbm>>) target_semaphore(%run_scoped3A : memref<!tpu.dma_semaphore, #tpu.memory_space<semaphore_mem>>)
        %dma_wait3A_70 = arith.constant 0 : i32
        %dma_wait3A_71 = tpu.memref_slice %arg3[%arg0, %add3A_63, %dma_wait3A_70] : memref<2x10240x16xf32, #tpu.memory_space<hbm>> -> memref<1x128x16xf32, #tpu.memory_space<hbm>>
        %dma_wait3A_72 = tpu.memref_squeeze %dma_wait3A_71 : memref<1x128x16xf32, #tpu.memory_space<hbm>> -> memref<128x16xf32, #tpu.memory_space<hbm>>
        %dma_wait3A_73 = arith.constant 0 : i32
        %dma_wait3A_74 = tpu.memref_slice %arg3[%arg0, %add3A_63, %dma_wait3A_73] : memref<2x10240x16xf32, #tpu.memory_space<hbm>> -> memref<1x128x16xf32, #tpu.memory_space<hbm>>
        %dma_wait3A_75 = tpu.memref_squeeze %dma_wait3A_74 : memref<1x128x16xf32, #tpu.memory_space<hbm>> -> memref<128x16xf32, #tpu.memory_space<hbm>>
        tpu.wait_dma2 semaphore(%run_scoped3A : memref<!tpu.dma_semaphore, #tpu.memory_space<semaphore_mem>>) src(%arg9 : memref<128x16xf32, #tpu.memory_space<vmem>>) dst(%dma_wait3A_75 : memref<128x16xf32, #tpu.memory_space<hbm>>)
        tpu.yield
      }) : () -> ()
    }
    %scan3A_57 = arith.constant 5 : i32
    return
  }
}

module attributes {stable_mosaic.version = 14 : i64} {
  func.func @body(%arg0: i32, %arg1: memref<2x1000x128xf32, #tpu.memory_space<vmem>>, %arg2: memref<2x1000x16xf32, #tpu.memory_space<vmem>>, %arg3: memref<1000x128xf32, #tpu.memory_space<vmem>>, %arg4: memref<128x128xf32, #tpu.memory_space<vmem>>, %arg5: memref<1x128xf32, #tpu.memory_space<vmem>>, %arg6: memref<128x128xf32, #tpu.memory_space<vmem>>, %arg7: memref<1000x128xf32, #tpu.memory_space<vmem>>) attributes {dimension_semantics = [#tpu.dimension_semantics<arbitrary>], iteration_bounds = array<i64: 10>, scalar_prefetch = 0 : i64, scratch_operands = 0 : i64, tpu.core_type = #tpu.core_type<tc>, window_params = [{transform_indices = @transform_0, window_bounds = array<i64: 2, 1000, 128>}, {transform_indices = @transform_1, window_bounds = array<i64: 2, 1000, 16>}, {transform_indices = @transform_2, window_bounds = array<i64: 1000, 128>}, {pipeline_mode = #tpu.pipeline_mode<synchronous>, transform_indices = @transform_3, window_bounds = array<i64: 128, 128>}, {pipeline_mode = #tpu.pipeline_mode<synchronous>, transform_indices = @transform_4, window_bounds = array<i64: 1, 128>}, {pipeline_mode = #tpu.pipeline_mode<synchronous>, transform_indices = @transform_5, window_bounds = array<i64: 128, 128>}, {transform_indices = @transform_6, window_bounds = array<i64: 1000, 128>}]} {
    %get3A = arith.constant 0 : index
    %get3A_0 = arith.constant 0 : index
    %get3A_1 = arith.constant 0 : index
    %get3A_2 = vector.load %arg1[%get3A, %get3A_0, %get3A_1] : memref<2x1000x128xf32, #tpu.memory_space<vmem>>, vector<1x1000x128xf32>
    %get3A_3 = vector.shape_cast %get3A_2 : vector<1x1000x128xf32> to vector<1000x128xf32>
    %get3A_4 = arith.constant 1 : index
    %get3A_5 = arith.constant 0 : index
    %get3A_6 = arith.constant 0 : index
    %get3A_7 = vector.load %arg1[%get3A_4, %get3A_5, %get3A_6] : memref<2x1000x128xf32, #tpu.memory_space<vmem>>, vector<1x1000x128xf32>
    %get3A_8 = vector.shape_cast %get3A_7 : vector<1x1000x128xf32> to vector<1000x128xf32>
    %add3A = arith.addf %get3A_3, %get3A_8 : vector<1000x128xf32>
    %get3A_9 = arith.constant 0 : index
    %get3A_10 = arith.constant 0 : index
    %get3A_11 = arith.constant 0 : index
    %get3A_12 = vector.load %arg2[%get3A_9, %get3A_10, %get3A_11] : memref<2x1000x16xf32, #tpu.memory_space<vmem>>, vector<1x1000x1xf32>
    %get3A_13 = vector.shape_cast %get3A_12 : vector<1x1000x1xf32> to vector<1000x1xf32>
    %get3A_14 = arith.constant 1 : index
    %get3A_15 = arith.constant 0 : index
    %get3A_16 = arith.constant 0 : index
    %get3A_17 = vector.load %arg2[%get3A_14, %get3A_15, %get3A_16] : memref<2x1000x16xf32, #tpu.memory_space<vmem>>, vector<1x1000x1xf32>
    %get3A_18 = vector.shape_cast %get3A_17 : vector<1x1000x1xf32> to vector<1000x1xf32>
    %add3A_19 = arith.addf %get3A_13, %get3A_18 : vector<1000x1xf32>
    %get3A_20 = arith.constant 0 : index
    %get3A_21 = arith.constant 0 : index
    %get3A_22 = vector.load %arg4[%get3A_20, %get3A_21] : memref<128x128xf32, #tpu.memory_space<vmem>>, vector<128x128xf32>
    %dot_general3A = arith.constant dense<0.000000e+00> : vector<1000x128xf32>
    %dot_general3A_23 = tpu.matmul %add3A, %get3A_22, %dot_general3A {dimension_numbers = #tpu.dot_dimension_numbers<[1], [0], [0], [1], [0, 0, 1, 1], [], []>, precision = #tpu.contract_precision<fp32>, transpose_lhs_hint = false} : vector<1000x128xf32>, vector<128x128xf32>, vector<1000x128xf32> -> vector<1000x128xf32>
    %get3A_24 = arith.constant 0 : index
    %get3A_25 = arith.constant 0 : index
    %get3A_26 = vector.load %arg5[%get3A_24, %get3A_25] : memref<1x128xf32, #tpu.memory_space<vmem>>, vector<1x128xf32>
    %mul3A = vector.broadcast %add3A_19 : vector<1000x1xf32> to vector<1000x128xf32>
    %mul3A_27 = vector.broadcast %get3A_26 : vector<1x128xf32> to vector<1000x128xf32>
    %mul3A_28 = arith.mulf %mul3A, %mul3A_27 : vector<1000x128xf32>
    %add3A_29 = arith.addf %dot_general3A_23, %mul3A_28 : vector<1000x128xf32>
    %get3A_30 = arith.constant 0 : index
    %get3A_31 = arith.constant 0 : index
    %get3A_32 = vector.load %arg3[%get3A_30, %get3A_31] : memref<1000x128xf32, #tpu.memory_space<vmem>>, vector<1000x128xf32>
    %get3A_33 = arith.constant 0 : index
    %get3A_34 = arith.constant 0 : index
    %get3A_35 = vector.load %arg6[%get3A_33, %get3A_34] : memref<128x128xf32, #tpu.memory_space<vmem>>, vector<128x128xf32>
    %dot_general3A_36 = arith.constant dense<0.000000e+00> : vector<1000x128xf32>
    %dot_general3A_37 = tpu.matmul %get3A_32, %get3A_35, %dot_general3A_36 {dimension_numbers = #tpu.dot_dimension_numbers<[1], [0], [0], [1], [0, 0, 1, 1], [], []>, precision = #tpu.contract_precision<fp32>, transpose_lhs_hint = false} : vector<1000x128xf32>, vector<128x128xf32>, vector<1000x128xf32> -> vector<1000x128xf32>
    %add3A_38 = arith.addf %add3A_29, %dot_general3A_37 : vector<1000x128xf32>
    %swap3A = arith.constant 0 : index
    %swap3A_39 = arith.constant 0 : index
    %swap3A_40 = vector.load %arg7[%swap3A, %swap3A_39] : memref<1000x128xf32, #tpu.memory_space<vmem>>, vector<1000x128xf32>
    tpu.vector_store %arg7[%swap3A, %swap3A_39], %add3A_38 {strides = array<i32>} : memref<1000x128xf32, #tpu.memory_space<vmem>>, vector<1000x128xf32>,
    return
  }
  func.func @transform_0(%arg0: i32) -> (i32, i32, i32) {
    %c0_i32 = arith.constant 0 : i32
    %c0_i32_0 = arith.constant 0 : i32
    %c0_i32_1 = arith.constant 0 : i32
    return %c0_i32, %arg0, %c0_i32_0 : i32, i32, i32
  }
  func.func @transform_1(%arg0: i32) -> (i32, i32, i32) {
    %c0_i32 = arith.constant 0 : i32
    %c0_i32_0 = arith.constant 0 : i32
    %c0_i32_1 = arith.constant 0 : i32
    return %c0_i32, %arg0, %c0_i32_0 : i32, i32, i32
  }
  func.func @transform_2(%arg0: i32) -> (i32, i32) {
    %c0_i32 = arith.constant 0 : i32
    %c0_i32_0 = arith.constant 0 : i32
    return %arg0, %c0_i32 : i32, i32
  }
  func.func @transform_3(%arg0: i32) -> (i32, i32) {
    %c0_i32 = arith.constant 0 : i32
    %c0_i32_0 = arith.constant 0 : i32
    %c0_i32_1 = arith.constant 0 : i32
    return %c0_i32, %c0_i32_0 : i32, i32
  }
  func.func @transform_4(%arg0: i32) -> (i32, i32) {
    %c0_i32 = arith.constant 0 : i32
    %c0_i32_0 = arith.constant 0 : i32
    %c0_i32_1 = arith.constant 0 : i32
    return %c0_i32, %c0_i32_0 : i32, i32
  }
  func.func @transform_5(%arg0: i32) -> (i32, i32) {
    %c0_i32 = arith.constant 0 : i32
    %c0_i32_0 = arith.constant 0 : i32
    %c0_i32_1 = arith.constant 0 : i32
    return %c0_i32, %c0_i32_0 : i32, i32
  }
  func.func @transform_6(%arg0: i32) -> (i32, i32) {
    %c0_i32 = arith.constant 0 : i32
    %c0_i32_0 = arith.constant 0 : i32
    return %arg0, %c0_i32 : i32, i32
  }
}

</mosaic_0001>

<sc_bundles>
// kernel: kernel.5.cloned.1.call-start
scs
__scs_entry_jumppad:
0x0: {  	(pc) =	sbr.rel $0x88, $3  }
0x1: {  	(tag) =	ssettag $0x0;
	lr =	simm.s32 $0x1  }
0x2: {  	[smem:$0x3F9C] =	sst lr;
	_ =	strace $0xD0000000  }
0x3: {  	_ = 	snop  }
0x4: {  	_ = 	snop  }
0x5: {  	_ = 	snop  }
0x6: {  	_ = 	snop  }
0x7: {  	_ = 	snop  }
__scs_overlays_trampoline_lowered:
0x8: {  	[smem:$0x3FAB] =	sst s0  }
0x9: {  	[smem:$0x3FAC] =	sst s1  }
0xa: {  	[smem:$0x3FAD] =	sst s2  }
0xb: {  	[smem:$0x3FAE] =	sst s3  }
0xc: {  	[smem:$0x3FAF] =	sst s4  }
0xd: {  	[smem:$0x3FB0] =	sst s5  }
0xe: {  	[smem:$0x3FB1] =	sst s6  }
0xf: {  	[smem:$0x3FB2] =	sst s7  }
0x10: {  	[smem:$0x3FB3] =	sst s8  }
0x11: {  	[smem:$0x3FB4] =	sst s9;
	s0 =	simm.s32 @!p0 $0x0  }
0x12: {  	s1 =	sld [smem:$0x3F9A];
	s0 =	simm.s32 @p0 $0x1  }
0x13: {  	[smem:$0x3FB5] =	sst s0;
	s0 =	simm.s32 @!p1 $0x0  }
0x14: {  	s2 =	sld [smem:$0x3F99];
	s0 =	simm.s32 @p1 $0x1  }
0x15: {  	[smem:$0x3FB6] =	sst s0;
	s0 =	simm.s32 @!p2 $0x0  }
0x16: {  	s3 =	sld [smem:$0x3FDB];
	s0 =	simm.s32 @p2 $0x1  }
0x17: {  	s4 =	simm.s32 $0x1BF5;
	[smem:$0x3FB8] =	sst s0  }
0x18: {  	s0 =	sld [smem:$0x3F9B];
	_ =	swait.ge [sflag:s4], $0x0  }
0x19: {  	s7 =	sld [smem:$0x3F9C]  }
0x1a: {  	s8 =	sadd.s32 $0xFFFFE003, lr  }
0x1b: {  	s9 =	sadd.s32 $0xFFFFFEF7, lr;
	s5 =	simm.s32 $0xFFFFFFFF;
	p2 =	slt.u32 s8, $0xFFFFF086  }
0x1c: {  	p1 =	slt.u32 s9, $0xF7A;
	s5 =	simm.s32 @!p2 $0x0  }
0x1d: {  	s5 =	simm.s32 @p1 $0x1;
	p0 =	seq.s32 s7, s2  }
0x1e: {  	s7 =	smul.u32 @!p0 $0xF7A, s2;
	p2 =	seq.s32 @!p0 s5, $0x0  }
0x1f: {  	s9 =	smul.u32 $0xF7A, s1;
	s8 =	simm.s32 @!p0 $0x1BF5;
	p2 =	por !p2, p0  }
0x20: {  	[sflag:s8] =	ssyncset.s32 @!p0 $0xFFFFF086;
	s6 =	sadd.s32 @!p0 s3, s7;
	s7 =	simm.s32 @!p0 $0x108  }
0x21: {  	s3 =	sadd.s32 s3, s9;
	s6 =	sadd.s32 @!p0 $0x88, s6;
	s7 =	simm.s32 @p2 $0x1082  }
0x22: {  	[simem:s7], [sflag:s8] =	dma.local @!p0 [hbm:s6], $0xF7A  }
0x23: {  	s9 =	sor.u32 $0xD0000000, s2;
	s6 =	simm.s32 $0x108;
	_ =	swait.ge @!p0 [sflag:s8], $0x0  }
0x24: {  	s3 =	sadd.s32 $0x88, s3;
	s6 =	simm.s32 @!p1 $0x1082;
	[sflag:s4] =	ssyncset.s32 $0xFFFFF086  }
0x25: {  	[simem:s6], [sflag:s4] =	dma.local [hbm:s3], $0xF7A  }
0x26: {  	[smem:$0x3F9C] =	sst s1;
	(tag) =	ssettag s2;
	_ =	strace s9  }
0x27: {  	s1 =	sld [smem:$0x3FAC]  }
0x28: {  	s2 =	sld [smem:$0x3FAD]  }
0x29: {  	s4 =	sld [smem:$0x3FAF]  }
0x2a: {  	p0 =	seq.s32 s5, $0x0;
	s5 =	sld [smem:$0x3FB0]  }
0x2b: {  	s6 =	sld [smem:$0x3FB1]  }
0x2c: {  	s7 =	sld [smem:$0x3FB2]  }
0x2d: {  	s3 =	simm.s32 $0x108;
	s8 =	sld [smem:$0x3FB3]  }
0x2e: {  	s3 =	simm.s32 @!p0 $0x1082;
	s9 =	sld [smem:$0x3FB4]  }
0x2f: {  	lr =	sadd.s32 s0, s3;
	s0 =	sld [smem:$0x3FAB]  }
0x30: {  	s3 =	sld [smem:$0x3FAE]  }
0x31: {  	[smem:$0x3FB7] =	sst s10  }
0x32: {  	s10 =	sld [smem:$0x3FB5];
	_ =	sdelay $0x3  }
0x33: {  	p0 =	seq.s32 s10, $0x1;
	s10 =	sld [smem:$0x3FB7];
	_ =	sdelay $0x3  }
0x34: {  	[smem:$0x3FB7] =	sst s10  }
0x35: {  	s10 =	sld [smem:$0x3FB6];
	_ =	sdelay $0x3  }
0x36: {  	p1 =	seq.s32 s10, $0x1;
	s10 =	sld [smem:$0x3FB7];
	_ =	sdelay $0x3  }
0x37: {  	[smem:$0x3FB7] =	sst s10  }
0x38: {  	s10 =	sld [smem:$0x3FB8]  }
0x39: {  	_ = 	snop;
	(pc) =	sbr.ind lr, $3  }
0x3a: {  	_ = 	snop  }
0x3b: {  	_ = 	snop  }
0x3c: {  	p2 =	seq.s32 s10, $0x1;
	s10 =	sld [smem:$0x3FB7]  }
0x3d: {  	_ =	shalt  }
0x3e: {  	_ =	shalt  }
0x3f: {  	_ =	shalt  }
0x40: {  	_ =	shalt  }
0x41: {  	_ =	shalt  }
0x42: {  	_ =	shalt  }
0x43: {  	_ =	shalt  }
0x44: {  	_ =	shalt  }
0x45: {  	_ =	shalt  }
0x46: {  	_ =	shalt  }
0x47: {  	_ =	shalt  }
0x48: {  	_ =	shalt  }
0x49: {  	_ =	shalt  }
0x4a: {  	_ =	shalt  }
0x4b: {  	_ =	shalt  }
0x4c: {  	_ =	shalt  }
0x4d: {  	_ =	shalt  }
0x4e: {  	_ =	shalt  }
0x4f: {  	_ =	shalt  }
0x50: {  	_ =	shalt  }
0x51: {  	_ =	shalt  }
0x52: {  	_ =	shalt  }
0x53: {  	_ =	shalt  }
0x54: {  	_ =	shalt  }
0x55: {  	_ =	shalt  }
0x56: {  	_ =	shalt  }
0x57: {  	_ =	shalt  }
0x58: {  	_ =	shalt  }
0x59: {  	_ =	shalt  }
0x5a: {  	_ =	shalt  }
0x5b: {  	_ =	shalt  }
0x5c: {  	_ =	shalt  }
0x5d: {  	_ =	shalt  }
0x5e: {  	_ =	shalt  }
0x5f: {  	_ =	shalt  }
0x60: {  	_ =	shalt  }
0x61: {  	_ =	shalt  }
0x62: {  	_ =	shalt  }
0x63: {  	_ =	shalt  }
0x64: {  	_ =	shalt  }
0x65: {  	_ =	shalt  }
0x66: {  	_ =	shalt  }
0x67: {  	_ =	shalt  }
0x68: {  	_ =	shalt  }
0x69: {  	_ =	shalt  }
0x6a: {  	_ =	shalt  }
0x6b: {  	_ =	shalt  }
0x6c: {  	_ =	shalt  }
0x6d: {  	_ =	shalt  }
0x6e: {  	_ =	shalt  }
0x6f: {  	_ =	shalt  }
0x70: {  	_ =	shalt  }
0x71: {  	_ =	shalt  }
0x72: {  	_ =	shalt  }
0x73: {  	_ =	shalt  }
0x74: {  	_ =	shalt  }
0x75: {  	_ =	shalt  }
0x76: {  	_ =	shalt  }
0x77: {  	_ =	shalt  }
0x78: {  	_ =	shalt  }
0x79: {  	_ =	shalt  }
0x7a: {  	_ =	shalt  }
0x7b: {  	_ =	shalt  }
0x7c: {  	_ =	shalt  }
0x7d: {  	_ =	shalt  }
0x7e: {  	_ =	shalt  }
0x7f: {  	_ =	shalt  }
0x80: {  	_ =	shalt  }
0x81: {  	_ =	shalt  }
0x82: {  	_ =	shalt  }
0x83: {  	_ =	shalt  }
0x84: {  	_ =	shalt  }
0x85: {  	_ =	shalt  }
0x86: {  	_ =	shalt  }
0x87: {  	_ =	shalt  }
.Lfunc_end0:
.L_simem_size_0:
called_computation_lowered:
.L_overlay_start_0:
0x88: {  	s2 =	sld [smem:$0x3FD9]  }
0x89: {  	s3 =	sld [smem:$0x3FFE];
	_ =	sdelay $0x1  }
0x8a: {  	s1 =	srdreg.scid  }
0x8b: {  	s0 =	sand.u32 $0x1, s1  }
0x8c: {  	s17 =	sshll.u32 s0, $0xA;
	s2 =	sadd.s32 s3, s2  }
0x8d: {  	s2 =	sadd.s32 s2, s17  }
0x8e: {  	[smem:$0x3FC3] =	sst s2  }
0x8f: {  	_ = 	snop  }
0x90: {  	s18 =	sld [smem:$0x3FC9]  }
0x91: {  	s4 =	sld [smem:$0x3FD0];
	(tm) =	ssettm $0x1  }
0x92: {  	s19 =	sld [smem:$0x3FFB];
	_ =	sdelay $0x3  }
0x93: {  	_ =	strace s19  }
0x94: {  	s2 =	sld [smem:$0x3FFC];
	_ =	sdelay $0x3  }
0x95: {  	_ =	strace s2  }
0x96: {  	s2 =	sld [smem:$0x3FFD];
	_ =	sdelay $0x3  }
0x97: {  	_ =	strace s2  }
0x98: {  	_ =	strace $0x8FFFFFFF  }
0x99: {  	s20 =	sld [smem:$0x3FDB];
	_ =	sdelay $0x1  }
0x9a: {  	s5 =	simm.s32 $_scs_section_size  }
0x9b: {  	s6 =	simm.s32 $_size__tile_overlayer_lowered;
	s7 =	simm.s32 $_tile_overlayer_lowered  }
0x9c: {  	s8 =	simm.s32 $0x1BFF;
	s21 =	sshll.u32 s7, $0x1;
	s5 =	sadd.s32 s5, s20  }
0x9d: {  	s22 =	simm.s32 $0x0;
	s6 =	sshll.u32 s6, $0x1;
	s7 =	sadd.s32 s21, s5  }
0x9e: {  	[timem:s22], [sflag:s8] =	dma.local [hbm:s7], s6  }
0x9f: {  	_ =	swait.ge [sflag:s8], s6  }
0xa0: {  	s6 =	ssub.s32 $0x0, s6;
	[sflag:s8] =	ssyncset.done $0x0  }
0xa1: {  	[sflag:s8] =	ssyncadd.s32 s6;
	_ =	sdelay $0x1  }
0xa2: {  	s23 =	simm.s32 $0x1B8B  }
0xa3: {  	_ =	swait.ge [sflag:s23], $0x1  }
0xa4: {  	[sflag:s23] =	ssyncset.done $0x0  }
0xa5: {  	[sflag:s23] =	ssyncadd.s32 $0xFFFFFFFF  }
0xa6: {  	s6 =	sld [smem:$0x0]  }
0xa7: {  	s7 =	sand.u32 $0xFFFFFFFE, s1  }
0xa8: {  	p0 =	sne.s32 s1, s7  }
0xa9: {  	s7 =	sshll.u32 @p0 s7, $0xE  }
0xaa: {  	s7 =	sadd.s32 @p0 $0x11B8D, s7;
	s8 =	sshll.u32 @p0 s6, $0x11  }
0xab: {  	s7 =	sor.u32 @p0 s8, s7  }
0xac: {  	[sflag:s7] =	ssyncadd.remote.s32 @p0 $0x1;
	_ =	sdelay $0x1  }
0xad: {  	s7 =	simm.s32 @p0 $0x1B8D  }
0xae: {  	_ =	swait.eq @p0 [sflag:s7], $0x1  }
0xaf: {  	[sflag:s7] =	ssyncadd.s32 @p0 $0xFFFFFFFF  }
0xb0: {  	s8 =	sshll.u32 @!p0 s1, $0xE  }
0xb1: {  	s8 =	sor.u32 @!p0 $0x4000, s8;
	s7 =	simm.s32 @!p0 $0x1B8D  }
0xb2: {  	s6 =	sshll.u32 @!p0 s6, $0x11;
	s8 =	sadd.s32 @!p0 $0x11B8D, s8;
	_ =	swait.eq @!p0 [sflag:s7], $0x1  }
0xb3: {  	s6 =	sor.u32 @!p0 s6, s8;
	[sflag:s7] =	ssyncadd.s32 @!p0 $0xFFFFFFFF  }
0xb4: {  	s25 =	simm.s32 $0x1B8E;
	s24 =	sld [smem:$0x3FFE];
	[sflag:s6] =	ssyncadd.remote.s32 @!p0 $0x1  }
0xb5: {  	s26 =	simm.s32 $execute0_lowered;
	[smem:$0x3FD2] =	sst s25  }
0xb6: {  	s7 =	sshll.u32 s26, $0x1;
	_ =	strace $0x80000049;
	[dreg:$0x1] =	wrdreg $0xFFFFFFFF  }
0xb7: {  	s28 =	simm.s32 $_size_execute0_lowered;
	s5 =	sadd.s32 s5, s7;
	[dreg:$0x0] =	wrdreg $0x0  }
0xb8: {  	s7 =	sshll.u32 s28, $0x1;
	[dreg:$0x2] =	wrdreg s5  }
0xb9: {  	[dreg:$0x3] =	wrdreg s7  }
0xba: {  	[dreg:$0x4] =	wrdreg $0xC0  }
0xbb: {  	_ =	task [dreg:s22], $0x5FFFF  }
0xbc: {  	[dreg:$0x1] =	wrdreg $0xFFFFFFFF  }
0xbd: {  	[dreg:$0x0] =	wrdreg $0x60  }
0xbe: {  	[dreg:$0x2] =	wrdreg s18  }
0xbf: {  	[dreg:$0x3] =	wrdreg s4  }
0xc0: {  	[dreg:$0x4] =	wrdreg s24  }
0xc1: {  	[dreg:$0x5] =	wrdreg $0xA4000  }
0xc2: {  	[dreg:$0x6] =	wrdreg $0x9  }
0xc3: {  	_ =	task.clear_ibuf [dreg:s22], $0x7FFFF;
	_ =	strace $0x90000049  }
0xc4: {  	s29 =	simm.s32 $0x9;
	_ =	strace $0x8000004B  }
0xc5: {  	_ =	swait.ge [sflag:s29], $0x1  }
0xc6: {  	[sflag:s29] =	ssyncadd.s32 $0xFFFFFFFF  }
0xc7: {  	_ =	strace $0x9000004B  }
0xc8: {  	_ =	sfence  }
0xc9: {  	s30 =	sld [smem:$0x0];
	_ =	sdelay $0x2  }
0xca: {  	s31 =	sshll.u32 s1, $0xD;
	s1 =	sshrl.u32 s1, $0x2  }
0xcb: {  	s4 =	sand.u32 $0x4000, s31;
	s1 =	sadd.s32 s1, s30  }
0xcc: {  	s0 =	sor.u32 s4, s0;
	s1 =	sshll.u32 s1, $0x11  }
0xcd: {  	s0 =	sor.u32 s1, s0  }
0xce: {  	s0 =	sadd.s32 $0x8F2B, s0  }
0xcf: {  	[sflag:s0] =	ssyncadd.remote.s32 $0x1  }
0xd0: {  	_ =	sfence.sel $0xFFFF  }
0xd1: {  	[dreg:$0x0] =	wrdreg $0xFFFFFFFF;
	(pc) =	sbr.abs _section_cstart, $3  }
0xd2: {  	[dreg:$0x1] =	wrdreg $0xFFFFFFFF  }
0xd3: {  	_ =	task.clear_ibuf [dreg:s22], $0x2FFFF;
	_ =	strace $0x9FFFFFFF  }
0xd4: {  	(tm) =	ssettm $0x7FFFFFFF  }
0xd5: {  	_ =	shalt  }
tec
execute0_lowered:
.L_overlay_start_1:
0x0: {  	(tag) =	ssettag $0x1  }
0x1: {  	s1 =	rddreg [dreg:$0x0]  }
0x2: {  	s2 =	rddreg [dreg:$0x1]  }
0x3: {  	s0 =	rddreg [dreg:$0x2]  }
0x4: {  	s3 =	rddreg [dreg:$0x3];
	s5 =	simm.s32 $0x0  }
0x5: {  	s4 =	srdreg.scid;
	s16 =	stileid.u32;
	s28 =	simm.s32 $0x7  }
0x6: {  	s29 =	simm.s32 $0x6;
	s30 =	simm.s32 $0x4400;
	s31 =	simm.s32 $0x4  }
0x7: {  	[smem:$0x7FF] =	sst s5;
	s4 =	sand.u32 $0x1, s4;
	s6 =	sadd.s32 $0xB800, s0  }
0x8: {  	s8 =	smul.u32 $0x50000, s16;
	s0 =	sadd.s32 $0xBC00, s0;
	s9 =	sshll.u32 s16, $0x1  }
0x9: {  	s11 =	smul.u32 $0x14000, s16;
	p0 =	sgt.u32 s16, $0x1;
	s14 =	ssub.s32 $0x2, s4  }
0xa: {  	_ =	strace $0x8000004A;
	[dreg:$0x5] =	wrdreg s6;
	s7 =	sshrl.u32 s14, $0x1  }
0xb: {  	s8 =	sshrl.u32 s8, $0x2;
	s17 =	sadd.s32 $0x4000, s11;
	s23 =	sadd.s32 $0x8000, s11  }
0xc: {  	s25 =	sadd.s32 $0xC000, s11;
	s6 =	ssub.s32 s14, s7;
	s7 =	sor.u32 s4, s9  }
0xd: {  	s18 =	sadd.s32 s8, s3;
	s4 =	smul.u32 $0x140000, s4;
	s15 =	sshll.u32 s7, $0x4  }
0xe: {  	s16 =	sadd.s32 $0x6000, s18;
	[dreg:$0x6] =	wrdreg s18;
	s10 =	sadd.s32 s2, s15  }
0xf: {  	s8 =	sor.u32 $0x200, s15;
	s19 =	sadd.s32 s4, s11;
	s14 =	sadd.s32 s4, s17  }
0x10: {  	s24 =	sadd.s32 s4, s23;
	s11 =	sadd.s32 $0x10000, s11;
	[dreg:$0x17] =	wrdreg s16  }
0x11: {  	[dreg:$0x7] =	wrdreg s10;
	s10 =	sadd.s32 $0x9C40, s2;
	s13 =	sadd.s32 s2, s8  }
0x12: {  	s21 =	sshrl.u32 s14, $0x3;
	s14 =	sadd.s32 $0x2000, s18;
	[dreg:$0x9] =	wrdreg s13  }
0x13: {  	s16 =	simm.s32 $0x80;
	s12 =	sadd.s32 s15, s10;
	[dreg:$0x15] =	wrdreg s14  }
0x14: {  	s20 =	sshrl.u32 s19, $0x3;
	s8 =	sadd.s32 s8, s10;
	[dreg:$0x8] =	wrdreg s12  }
0x15: {  	s19 =	sor.u32 $0x80, s7;
	s22 =	sadd.s32 s0, s21;
	[dreg:$0xa] =	wrdreg s8  }
0x16: {  	s13 =	sshrl.u32 s24, $0x3;
	s21 =	sadd.s32 $0xA000, s18;
	[dreg:$0xc] =	wrdreg s22  }
0x17: {  	s15 =	sadd.s32 s4, s25;
	s24 =	sadd.s32 $0x10000, s18;
	[dreg:$0x19] =	wrdreg s21  }
0x18: {  	s4 =	sadd.s32 s4, s11;
	s8 =	sadd.s32 s0, s20;
	[dreg:$0x1c] =	wrdreg s24  }
0x19: {  	s14 =	simm.s32 $0x9;
	s13 =	sadd.s32 s0, s13;
	[dreg:$0xb] =	wrdreg s8  }
0x1a: {  	s20 =	ssub.s32 $0x9C4, s9;
	s9 =	sadd.s32 s23, s3;
	[dreg:$0xd] =	wrdreg s13  }
0x1b: {  	s26 =	sshrl.u32 s15, $0x3;
	s12 =	sadd.s32 s25, s3;
	[dreg:$0x12] =	wrdreg s9  }
0x1c: {  	s4 =	sshrl.u32 s4, $0x3;
	s15 =	sadd.s32 $0x4000, s18;
	[dreg:$0x13] =	wrdreg s12  }
0x1d: {  	s22 =	sadd.s32 $0xC000, s18;
	s23 =	sadd.s32 $0xE000, s18;
	[dreg:$0x16] =	wrdreg s15  }
0x1e: {  	s25 =	sadd.s32 $0x12000, s18;
	s21 =	simm.s32 $0x2;
	[dreg:$0x1a] =	wrdreg s22  }
0x1f: {  	s24 =	simm.s32 $0x5;
	s13 =	sadd.s32 s0, s26;
	[dreg:$0x1b] =	wrdreg s23  }
0x20: {  	s0 =	sadd.s32 s0, s4;
	s4 =	smax.u32 s6, $0x1;
	[dreg:$0x1d] =	wrdreg s25  }
0x21: {  	s6 =	sadd.s32 s17, s3;
	s26 =	sor.u32 $0xA0, s7;
	[dreg:$0xe] =	wrdreg s13  }
.Ltmp0:
0x22: {  	s17 =	sadd.s32 $0x8000, s18;
	[dreg:$0xf] =	wrdreg s0;
	(pc) =	sbr.rel .LBB2_1-.Ltmp0, $4  }
0x23: {  	s12 =	sor.u32 $0x60, s7;
	s15 =	simm.s32 $0x200;
	[dreg:$0x10] =	wrdreg s4  }
0x24: {  	s22 =	simm.s32 $0x100;
	s25 =	simm.s32 $0x3;
	[dreg:$0x11] =	wrdreg s6  }
0x25: {  	s13 =	sadd.s32 s11, s3;
	[dreg:$0x18] =	wrdreg s17;
	s17 =	simm.s32 $0x400  }
0x26: {  	s0 =	simm.s32 $0x8;
	s6 =	simm.s32 $0x0;
	[dreg:$0x14] =	wrdreg s13  }
.LBB2_7:
0x27: {  	_ =	swait.ge [sflag:s0], $0x4000  }
0x28: {  	[sflag:s0] =	ssyncset.done $0x0  }
0x29: {  	s4 =	simm.s32 @!p0 $0x7;
	[sflag:s0] =	ssyncadd.s32 $0xFFFFC000  }
0x2a: {  	_ =	swait.ge @!p0 [sflag:s4], $0x4000  }
0x2b: {  	[sflag:s4] =	ssyncset.done @!p0 $0x0  }
0x2c: {  	[sflag:s4] =	ssyncadd.s32 @!p0 $0xFFFFC000  }
0x2d: {  	[bflag:$0x0] =	sbarrier.arrive $0xFFFF  }
0x2e: {  	s18 =	rddreg [dreg:$0x6]  }
0x2f: {  	[tilespmem:s17], [sflag:$0x9] =	stream.linear.gather [spmem:s18], $0x4000, $0x38;
	[tilespmem:$0x1E400] =	vst v63  }
0x30: {  	_ =	swait.ge [sflag:s14], $0x4000  }
0x31: {  	[sflag:s14] =	ssyncset.done $0x0  }
0x32: {  	s9 =	rddreg [dreg:$0xb];
	[sflag:s14] =	ssyncadd.s32 $0xFFFFC000  }
0x33: {  	[hbm4b:s9+s5] =	stream.linear.scatter [tilespmem:s17], [sflag:$0x9], $0x4000, $0x38;
	[tilespmem:$0x1E400] =	vst v63  }
0x34: {  	_ =	swait.ge [sflag:s14], $0x4000  }
0x35: {  	[sflag:s14] =	ssyncset.done $0x0  }
0x36: {  	s11 =	rddreg [dreg:$0x11];
	[sflag:s14] =	ssyncadd.s32 $0xFFFFC000  }
0x37: {  	[tilespmem:s17], [sflag:$0x9] =	stream.linear.gather [spmem:s11], $0x4000, $0x38;
	[tilespmem:$0x1E400] =	vst v63  }
0x38: {  	_ =	swait.ge [sflag:s14], $0x4000  }
0x39: {  	[sflag:s14] =	ssyncset.done $0x0  }
0x3a: {  	s13 =	rddreg [dreg:$0xc];
	[sflag:s14] =	ssyncadd.s32 $0xFFFFC000  }
0x3b: {  	[hbm4b:s13+s5] =	stream.linear.scatter [tilespmem:s17], [sflag:$0x9], $0x4000, $0x38;
	[tilespmem:$0x1E400] =	vst v63  }
0x3c: {  	_ =	swait.ge [sflag:s14], $0x4000  }
0x3d: {  	[sflag:s14] =	ssyncset.done $0x0  }
0x3e: {  	s23 =	rddreg [dreg:$0x12];
	[sflag:s14] =	ssyncadd.s32 $0xFFFFC000  }
0x3f: {  	[tilespmem:s17], [sflag:$0x9] =	stream.linear.gather [spmem:s23], $0x4000, $0x38;
	[tilespmem:$0x1E400] =	vst v63  }
0x40: {  	_ =	swait.ge [sflag:s14], $0x4000  }
0x41: {  	[sflag:s14] =	ssyncset.done $0x0  }
0x42: {  	s6 =	rddreg [dreg:$0xd];
	[sflag:s14] =	ssyncadd.s32 $0xFFFFC000  }
0x43: {  	[hbm4b:s6+s5] =	stream.linear.scatter [tilespmem:s17], [sflag:$0x9], $0x4000, $0x38;
	[tilespmem:$0x1E400] =	vst v63  }
0x44: {  	_ =	swait.ge [sflag:s14], $0x4000  }
0x45: {  	[sflag:s14] =	ssyncset.done $0x0  }
0x46: {  	s8 =	rddreg [dreg:$0x13];
	[sflag:s14] =	ssyncadd.s32 $0xFFFFC000  }
0x47: {  	[tilespmem:s17], [sflag:$0x9] =	stream.linear.gather [spmem:s8], $0x4000, $0x38;
	[tilespmem:$0x1E400] =	vst v63  }
0x48: {  	_ =	swait.ge [sflag:s14], $0x4000  }
0x49: {  	[sflag:s14] =	ssyncset.done $0x0  }
0x4a: {  	s9 =	rddreg [dreg:$0xe];
	[sflag:s14] =	ssyncadd.s32 $0xFFFFC000  }
0x4b: {  	[hbm4b:s9+s5] =	stream.linear.scatter [tilespmem:s17], [sflag:$0x9], $0x4000, $0x38;
	[tilespmem:$0x1E400] =	vst v63  }
0x4c: {  	_ =	swait.ge [sflag:s14], $0x4000  }
0x4d: {  	[sflag:s14] =	ssyncset.done $0x0  }
0x4e: {  	s11 =	rddreg [dreg:$0x14];
	[sflag:s14] =	ssyncadd.s32 $0xFFFFC000  }
0x4f: {  	[tilespmem:s17], [sflag:$0x9] =	stream.linear.gather [spmem:s11], $0x4000, $0x38;
	[tilespmem:$0x1E400] =	vst v63  }
0x50: {  	_ =	swait.ge [sflag:s14], $0x4000  }
0x51: {  	[sflag:s14] =	ssyncset.done $0x0  }
0x52: {  	s13 =	rddreg [dreg:$0xf];
	[sflag:s14] =	ssyncadd.s32 $0xFFFFC000  }
0x53: {  	[hbm4b:s13+s5] =	stream.linear.scatter [tilespmem:s17], [sflag:$0x9], $0x4000, $0x38;
	[tilespmem:$0x1E400] =	vst v63  }
0x54: {  	_ =	swait.ge [sflag:s14], $0x4000  }
0x55: {  	s6 =	rddreg [dreg:$0x1e]  }
0x56: {  	s23 =	rddreg [dreg:$0x10];
	s6 =	sadd.s32 $0x1, s6  }
0x57: {  	p1 =	sne.s32 s6, s23  }
.Ltmp1:
0x58: {  	_ = 	snop;
	(pc) =	sbr.rel @!p1 .LBB2_8-.Ltmp1, $3  }
0x59: {  	_ =	sdelay $0x1  }
0x5a: {  	[sflag:s14] =	ssyncset.done $0x0  }
0x5b: {  	[sflag:s14] =	ssyncadd.s32 $0xFFFFC000  }
.LBB2_1:
0x5c: {  	[dreg:$0x1e] =	wrdreg s6  }
0x5d: {  	s4 =	rddreg [dreg:$0x5];
	s6 =	simm.s32 $0x8400  }
0x5e: {  	[tilespmem:s6], [sflag:$0x9] =	stream.linear.gather [hbm4b:s4+s5], $0x2000, $0x38;
	[tilespmem:$0x1E400] =	vst v63  }
0x5f: {  	_ =	swait.ge [sflag:s14], $0x2000  }
0x60: {  	[sflag:s14] =	ssyncset.done $0x0  }
0x61: {  	[sflag:s14] =	ssyncadd.s32 $0xFFFFE000  }
0x62: {  	[spmem:s18] =	stream.linear.scatter [tilespmem:s6], [sflag:$0x9], $0x2000, $0x38;
	[tilespmem:$0x1E400] =	vst v63  }
0x63: {  	_ =	swait.ge [sflag:s14], $0x2000  }
0x64: {  	[sflag:s14] =	ssyncset.done $0x0  }
0x65: {  	s18 =	rddreg [dreg:$0x15];
	[sflag:s14] =	ssyncadd.s32 $0xFFFFE000  }
0x66: {  	[spmem:s18] =	stream.linear.scatter [tilespmem:s6], [sflag:$0x9], $0x2000, $0x38;
	[tilespmem:$0x1E400] =	vst v63  }
0x67: {  	_ =	swait.ge [sflag:s14], $0x2000  }
0x68: {  	[sflag:s14] =	ssyncset.done $0x0  }
0x69: {  	s23 =	rddreg [dreg:$0x16];
	[sflag:s14] =	ssyncadd.s32 $0xFFFFE000  }
0x6a: {  	[spmem:s23] =	stream.linear.scatter [tilespmem:s6], [sflag:$0x9], $0x2000, $0x38;
	[tilespmem:$0x1E400] =	vst v63  }
0x6b: {  	_ =	swait.ge [sflag:s14], $0x2000  }
0x6c: {  	[sflag:s14] =	ssyncset.done $0x0  }
0x6d: {  	s8 =	rddreg [dreg:$0x17];
	[sflag:s14] =	ssyncadd.s32 $0xFFFFE000  }
0x6e: {  	[spmem:s8] =	stream.linear.scatter [tilespmem:s6], [sflag:$0x9], $0x2000, $0x38;
	[tilespmem:$0x1E400] =	vst v63  }
0x6f: {  	_ =	swait.ge [sflag:s14], $0x2000  }
0x70: {  	[sflag:s14] =	ssyncset.done $0x0  }
0x71: {  	s9 =	rddreg [dreg:$0x18];
	[sflag:s14] =	ssyncadd.s32 $0xFFFFE000  }
0x72: {  	[spmem:s9] =	stream.linear.scatter [tilespmem:s6], [sflag:$0x9], $0x2000, $0x38;
	[tilespmem:$0x1E400] =	vst v63  }
0x73: {  	_ =	swait.ge [sflag:s14], $0x2000  }
0x74: {  	[sflag:s14] =	ssyncset.done $0x0  }
0x75: {  	s11 =	rddreg [dreg:$0x19];
	[sflag:s14] =	ssyncadd.s32 $0xFFFFE000  }
0x76: {  	[spmem:s11] =	stream.linear.scatter [tilespmem:s6], [sflag:$0x9], $0x2000, $0x38;
	[tilespmem:$0x1E400] =	vst v63  }
0x77: {  	_ =	swait.ge [sflag:s14], $0x2000  }
0x78: {  	[sflag:s14] =	ssyncset.done $0x0  }
0x79: {  	s13 =	rddreg [dreg:$0x1a];
	[sflag:s14] =	ssyncadd.s32 $0xFFFFE000  }
0x7a: {  	[spmem:s13] =	stream.linear.scatter [tilespmem:s6], [sflag:$0x9], $0x2000, $0x38;
	[tilespmem:$0x1E400] =	vst v63  }
0x7b: {  	_ =	swait.ge [sflag:s14], $0x2000  }
0x7c: {  	[sflag:s14] =	ssyncset.done $0x0  }
0x7d: {  	s18 =	rddreg [dreg:$0x1b];
	[sflag:s14] =	ssyncadd.s32 $0xFFFFE000  }
0x7e: {  	[spmem:s18] =	stream.linear.scatter [tilespmem:s6], [sflag:$0x9], $0x2000, $0x38;
	[tilespmem:$0x1E400] =	vst v63  }
0x7f: {  	_ =	swait.ge [sflag:s14], $0x2000  }
0x80: {  	[sflag:s14] =	ssyncset.done $0x0  }
0x81: {  	s23 =	rddreg [dreg:$0x1c];
	[sflag:s14] =	ssyncadd.s32 $0xFFFFE000  }
0x82: {  	[spmem:s23] =	stream.linear.scatter [tilespmem:s6], [sflag:$0x9], $0x2000, $0x38;
	[tilespmem:$0x1E400] =	vst v63  }
0x83: {  	_ =	swait.ge [sflag:s14], $0x2000  }
0x84: {  	[sflag:s14] =	ssyncset.done $0x0  }
0x85: {  	s8 =	rddreg [dreg:$0x1d];
	[sflag:s14] =	ssyncadd.s32 $0xFFFFE000  }
0x86: {  	[spmem:s8] =	stream.linear.scatter [tilespmem:s6], [sflag:$0x9], $0x2000, $0x38;
	[tilespmem:$0x1E400] =	vst v63  }
0x87: {  	_ =	swait.ge [sflag:s14], $0x2000  }
0x88: {  	[sflag:s14] =	ssyncset.done $0x0  }
0x89: {  	[sflag:s14] =	ssyncadd.s32 $0xFFFFE000  }
0x8a: {  	[bflag:$0x0] =	sbarrier.arrive $0xFFFF  }
0x8b: {  	s9 =	rddreg [dreg:$0x7]  }
0x8c: {  	[tilespmem:s5], [sflag:$0x9] =	stream.linear.gather [hbm4b:s9+s5], $0x80, $0x38;
	[tilespmem:$0x1E400] =	vst v63  }
0x8d: {  	_ =	swait.ge [sflag:s14], $0x80  }
0x8e: {  	[sflag:s14] =	ssyncset.done $0x0  }
0x8f: {  	s11 =	rddreg [dreg:$0x8];
	[sflag:s14] =	ssyncadd.s32 $0xFFFFFF80  }
0x90: {  	[tilespmem:s15], [sflag:$0x9] =	stream.linear.gather [hbm4b:s11+s5], $0x80, $0x38;
	[tilespmem:$0x1E400] =	vst v63  }
0x91: {  	_ =	swait.ge [sflag:s14], $0x80  }
0x92: {  	[sflag:s14] =	ssyncset.done $0x0  }
0x93: {  	[sflag:s14] =	ssyncadd.s32 $0xFFFFFF80  }
0x94: {  	[tilespmem:s17], [sflag:$0x5] =	stream.indirect.gather [hbm4b:s1+s16], $0x80, s5, s16, $0xb8;
	[tilespmem:$0x1E400] =	vst v63  }
.Ltmp2:
0x95: {  	_ = 	snop;
	(pc) =	sbr.rel .LBB2_2-.Ltmp2, $4  }
0x96: {  	s23 =	simm.s32 $0x280;
	s8 =	simm.s32 $0x0;
	s13 =	rddreg [dreg:$0x9]  }
0x97: {  	[tilespmem:s16], [sflag:$0x2] =	stream.linear.gather [hbm4b:s13+s5], $0x80, $0x38;
	[tilespmem:$0x1E400] =	vst v63  }
0x98: {  	s9 =	simm.s32 $0x3;
	s11 =	simm.s32 $0x0;
	s18 =	rddreg [dreg:$0xa]  }
0x99: {  	[tilespmem:s23], [sflag:$0x2] =	stream.linear.gather [hbm4b:s18+s5], $0x80, $0x38;
	[tilespmem:$0x1E400] =	vst v63  }
.LBB2_3:
0x9a: {  	_ =	swait.ge [sflag:s31], $0x80  }
0x9b: {  	[sflag:s31] =	ssyncset.done $0x0  }
0x9c: {  	[sflag:s31] =	ssyncadd.s32 $0xFFFFFF80  }
0x9d: {  	_ =	swait.ge [sflag:s31], $0x80  }
0x9e: {  	[sflag:s31] =	ssyncset.done $0x0  }
0x9f: {  	[sflag:s31] =	ssyncadd.s32 $0xFFFFFF80  }
0xa0: {  	_ =	swait.ge [sflag:s0], $0x4000  }
0xa1: {  	[sflag:s0] =	ssyncset.done $0x0  }
0xa2: {  	s4 =	simm.s32 $0x180;
	[sflag:s0] =	ssyncadd.s32 $0xFFFFC000  }
0xa3: {  	[tilespmem:s30], [sflag:$0x6] =	stream.indirect.gather [hbm4b:s1+s16], $0x80, s4, s16, $0xb8;
	[tilespmem:$0x1E400] =	vst v63  }
.LBB2_5:
0xa4: {  	s4 =	sadd.s32 s19, s6  }
0xa5: {  	p2 =	slt.s32 s4, $0x9C3  }
0xa6: {  	s4 =	simm.s32 @!p2 $0x9C3  }
0xa7: {  	s4 =	sshll.u32 s4, $0x4  }
0xa8: {  	s18 =	sadd.s32 s2, s4  }
0xa9: {  	[tilespmem:s5], [sflag:$0x1] =	stream.linear.gather [hbm4b:s18+s5], $0x80, $0x38;
	[tilespmem:$0x1E400] =	vst v63  }
0xaa: {  	s4 =	sadd.s32 s4, s10  }
0xab: {  	[tilespmem:s15], [sflag:$0x1] =	stream.linear.gather [hbm4b:s4+s5], $0x80, $0x38;
	[tilespmem:$0x1E400] =	vst v63  }
.LBB2_6:
0xac: {  	_ =	swait.ge [sflag:s24], $0x4000;
	p2 =	sge.u32 s13, s20  }
0xad: {  	[sflag:s24] =	ssyncset.done $0x0;
	s4 =	simm.s32 @!p2 $0x80  }
0xae: {  	s13 =	simm.s32 @!p2 $0x300;
	s18 =	simm.s32 @!p2 $0x400;
	[sflag:s24] =	ssyncadd.s32 $0xFFFFC000  }
0xaf: {  	[spmem:s3] =	stream.indirect.scatter.add.f32 @!p2 [tilespmem:s18], [sflag:$0x7], $0x80, s13, s4, $0xb8;
	[tilespmem:$0x1E400] =	vst v63  }
0xb0: {  	s4 =	simm.s32 @!p1 $0x1  }
0xb1: {  	_ =	swait.ge @!p1 [sflag:s4], $0x80  }
0xb2: {  	[sflag:s4] =	ssyncset.done @!p1 $0x0  }
0xb3: {  	[sflag:s4] =	ssyncadd.s32 @!p1 $0xFFFFFF80  }
0xb4: {  	_ =	swait.ge @!p1 [sflag:s4], $0x80  }
0xb5: {  	s6 =	sadd.s32 @!p1 s26, s6;
	[sflag:s4] =	ssyncset.done @!p1 $0x0  }
0xb6: {  	p2 =	slt.s32 @!p1 s6, $0x9C3;
	[sflag:s4] =	ssyncadd.s32 @!p1 $0xFFFFFF80;
	s4 =	simm.s32 @!p1 $0x7  }
0xb7: {  	s13 =	simm.s32 @!p1 $0x0;
	p2 =	por !p2, p1;
	_ =	swait.ge @!p1 [sflag:s4], $0x4000  }
0xb8: {  	s18 =	simm.s32 @!p1 $0x400;
	s6 =	simm.s32 @p2 $0x9C3;
	[sflag:s4] =	ssyncset.done @!p1 $0x0  }
0xb9: {  	s6 =	sshll.u32 @!p1 s6, $0x4;
	[sflag:s4] =	ssyncadd.s32 @!p1 $0xFFFFC000;
	s4 =	simm.s32 @!p1 $0x80  }
0xba: {  	[tilespmem:s18], [sflag:$0x5] =	stream.indirect.gather @!p1 [hbm4b:s1+s4], $0x80, s13, s4, $0xb8;
	[tilespmem:$0x1E400] =	vst v63  }
0xbb: {  	s18 =	sadd.s32 @!p1 s2, s6  }
0xbc: {  	[tilespmem:s4], [sflag:$0x2] =	stream.linear.gather @!p1 [hbm4b:s18+s13], $0x80, $0x38;
	[tilespmem:$0x1E400] =	vst v63  }
0xbd: {  	s4 =	sadd.s32 @!p1 s6, s10;
	s6 =	simm.s32 @!p1 $0x280  }
0xbe: {  	[tilespmem:s6], [sflag:$0x2] =	stream.linear.gather @!p1 [hbm4b:s4+s13], $0x80, $0x38;
	[tilespmem:$0x1E400] =	vst v63  }
0xbf: {  	s4 =	simm.s32 @!p1 $0x6  }
0xc0: {  	s6 =	sadd.s32 @!p1 $0x60, s11;
	_ =	swait.ge @!p1 [sflag:s4], $0x4000  }
0xc1: {  	p2 =	sge.u32 @!p1 s6, s20;
	[sflag:s4] =	ssyncset.done @!p1 $0x0  }
0xc2: {  	s11 =	sadd.s32 $0x80, s11;
	[sflag:s4] =	ssyncadd.s32 @!p1 $0xFFFFC000;
	p1 =	por p2, p1  }
0xc3: {  	s4 =	simm.s32 @!p1 $0x80;
	s6 =	simm.s32 @!p1 $0x380;
	s13 =	simm.s32 @!p1 $0x4400  }
0xc4: {  	[spmem:s3] =	stream.indirect.scatter.add.f32 @!p1 [tilespmem:s13], [sflag:$0x8], $0x80, s6, s4, $0xb8;
	[tilespmem:$0x1E400] =	vst v63  }
0xc5: {  	p1 =	sne.s32 s11, $0xA00  }
.Ltmp3:
0xc6: {  	_ = 	snop;
	(pc) =	sbr.rel @!p1 .LBB2_7-.Ltmp3, $2  }
0xc7: {  	_ =	sdelay $0x2  }
0xc8: {  	s8 =	sadd.s32 $0x1, s8;
	s9 =	sadd.s32 $0x4, s9  }
.LBB2_2:
0xc9: {  	_ =	swait.ge [sflag:s21], $0x80  }
0xca: {  	[sflag:s21] =	ssyncset.done $0x0  }
0xcb: {  	[sflag:s21] =	ssyncadd.s32 $0xFFFFFF80  }
0xcc: {  	_ =	swait.ge [sflag:s21], $0x80  }
0xcd: {  	p2 =	sne.s32 s11, $0x0;
	[sflag:s21] =	ssyncset.done $0x0  }
0xce: {  	s6 =	simm.s32 @p2 $0x8;
	[sflag:s21] =	ssyncadd.s32 $0xFFFFFF80  }
0xcf: {  	_ =	swait.ge @p2 [sflag:s6], $0x4000  }
0xd0: {  	[sflag:s6] =	ssyncset.done @p2 $0x0  }
0xd1: {  	s13 =	simm.s32 @p2 $0x4400;
	[sflag:s6] =	ssyncadd.s32 @p2 $0xFFFFC000;
	s6 =	simm.s32 @p2 $0x80  }
0xd2: {  	[tilespmem:s13], [sflag:$0x6] =	stream.indirect.gather @p2 [hbm4b:s1+s6], $0x80, s6, s6, $0xb8;
	[tilespmem:$0x1E400] =	vst v63  }
0xd3: {  	s13 =	sadd.s32 @p2 $0x40, s11  }
0xd4: {  	s4 =	simm.s32 @!p2 $0x4400;
	s6 =	simm.s32 @!p2 $0x80;
	s13 =	simm.s32 @!p2 $0x40  }
0xd5: {  	[tilespmem:s4], [sflag:$0x6] =	stream.indirect.gather @!p2 [hbm4b:s1+s6], $0x80, s6, s6, $0xb8;
	[tilespmem:$0x1E400] =	vst v63  }
0xd6: {  	s4 =	sadd.s32 s7, s13  }
0xd7: {  	p1 =	slt.s32 s4, $0x9C3  }
0xd8: {  	s4 =	simm.s32 @!p1 $0x9C3  }
0xd9: {  	s4 =	sshll.u32 s4, $0x4  }
0xda: {  	s23 =	sadd.s32 s2, s4  }
0xdb: {  	[tilespmem:s22], [sflag:$0x3] =	stream.linear.gather [hbm4b:s23+s5], $0x80, $0x38;
	[tilespmem:$0x1E400] =	vst v63  }
0xdc: {  	s18 =	simm.s32 $0x300;
	s4 =	sadd.s32 s4, s10  }
0xdd: {  	[tilespmem:s18], [sflag:$0x3] =	stream.linear.gather [hbm4b:s4+s5], $0x80, $0x38;
	[tilespmem:$0x1E400] =	vst v63  }
0xde: {  	_ =	swait.ge [sflag:s24], $0x4000  }
0xdf: {  	[sflag:s24] =	ssyncset.done $0x0  }
0xe0: {  	[sflag:s24] =	ssyncadd.s32 $0xFFFFC000  }
0xe1: {  	[spmem:s3] =	stream.indirect.scatter.add.f32 [tilespmem:s17], [sflag:$0x7], $0x80, s15, s16, $0xb8;
	[tilespmem:$0x1E400] =	vst v63  }
0xe2: {  	_ =	swait.ge [sflag:s25], $0x80  }
0xe3: {  	[sflag:s25] =	ssyncset.done $0x0  }
0xe4: {  	[sflag:s25] =	ssyncadd.s32 $0xFFFFFF80  }
0xe5: {  	p1 =	sgt.u32 s9, $0x4E;
	_ =	swait.ge [sflag:s25], $0x80  }
0xe6: {  	s4 =	sadd.s32 @!p1 s11, s12;
	[sflag:s25] =	ssyncset.done $0x0  }
0xe7: {  	p3 =	slt.s32 @!p1 s4, $0x9C3;
	[sflag:s25] =	ssyncadd.s32 $0xFFFFFF80  }
0xe8: {  	p3 =	por !p3, p1;
	_ =	swait.ge [sflag:s28], $0x4000  }
0xe9: {  	s4 =	simm.s32 @p3 $0x9C3;
	[sflag:s28] =	ssyncset.done $0x0  }
0xea: {  	s4 =	sshll.u32 @!p1 s4, $0x4;
	[sflag:s28] =	ssyncadd.s32 $0xFFFFC000  }
0xeb: {  	[tilespmem:s17], [sflag:$0x5] =	stream.indirect.gather [hbm4b:s1+s16], $0x80, s22, s16, $0xb8;
	[tilespmem:$0x1E400] =	vst v63  }
0xec: {  	s23 =	simm.s32 @!p1 $0x0;
	s18 =	simm.s32 @!p1 $0x180;
	s6 =	sadd.s32 @!p1 s2, s4  }
0xed: {  	[tilespmem:s18], [sflag:$0x4] =	stream.linear.gather @!p1 [hbm4b:s6+s23], $0x80, $0x38;
	[tilespmem:$0x1E400] =	vst v63  }
0xee: {  	p3 =	sgt.u32 s8, $0x12;
	s4 =	sadd.s32 @!p1 s4, s10;
	s6 =	simm.s32 @!p1 $0x380  }
0xef: {  	[tilespmem:s6], [sflag:$0x4] =	stream.linear.gather @!p1 [hbm4b:s4+s23], $0x80, $0x38;
	[tilespmem:$0x1E400] =	vst v63  }
.Ltmp4:
0xf0: {  	_ = 	snop;
	(pc) =	sbr.rel @!p3 .LBB2_3-.Ltmp4, $4  }
0xf1: {  	_ =	swait.ge [sflag:s29], $0x4000  }
0xf2: {  	s6 =	smov.u32 s11;
	[sflag:s29] =	ssyncset.done $0x0  }
0xf3: {  	s23 =	simm.s32 $0x280;
	s6 =	simm.s32 @!p2 $0x0;
	[sflag:s29] =	ssyncadd.s32 $0xFFFFC000  }
0xf4: {  	[spmem:s3] =	stream.indirect.scatter.add.f32 [tilespmem:s30], [sflag:$0x8], $0x80, s23, s16, $0xb8;
	[tilespmem:$0x1E400] =	vst v63  }
0xf5: {  	p2 =	seq.s32 s11, $0x980  }
.Ltmp5:
0xf6: {  	_ = 	snop;
	(pc) =	sbr.rel @p2 .LBB2_6-.Ltmp5, $4  }
.Ltmp6:
0xf7: {  	_ = 	snop;
	(pc) =	sbr.rel @!p2 .LBB2_5-.Ltmp6, $4  }
0xf8: {  	_ = 	snop  }
0xf9: {  	_ = 	snop  }
0xfa: {  	_ = 	snop  }
0xfb: {  	_ = 	snop  }
.LBB2_8:
0xfc: {  	_ =	sfence.sel $0x180000  }
0xfd: {  	[bflag:$0x0] =	sbarrier.arrive $0xFFFF  }
0xfe: {  	_ =	strace $0x9000004A  }
0xff: {  	s0 =	stileid.u32;
	[bflag:$0x2] =	sbarrier.arrive $0xFFFF  }
0x100: {  	p0 =	sne.s32 s0, $0x0;
	s0 =	rddreg [dreg:$0x4]  }
0x101: {  	s0 =	sadd.s32 @!p0 $0x100000, s0  }
0x102: {  	[sflag:s0] =	ssyncadd.tile.s32 @!p0 $0x1;
	_ =	shalt  }
.Lfunc_end2:
_tile_overlayer_lowered:
.L_overlay_start_2:
0x103: {  	(tag) =	ssettag $0x2  }
0x104: {  	s0 =	rddreg [dreg:$0x0];
	s2 =	stileid.u32  }
0x105: {  	s1 =	rddreg [dreg:$0x1];
	p0 =	sne.s32 s2, $0x0  }
0x106: {  	s3 =	rddreg [dreg:$0x2];
	[bflag:$0x3] =	sbarrier.arrive $0xFFFF;
	s2 =	simm.s32 @!p0 $0x1C09  }
0x107: {  	[timem:s3], [sflag:s2] =	dma.local @!p0 [hbm:s0], s1  }
0x108: {  	s0 =	simm.s32 @!p0 $0x9  }
0x109: {  	_ =	swait.ge @!p0 [sflag:s0], s1  }
0x10a: {  	s1 =	ssub.s32 @!p0 $0x0, s1;
	[sflag:s0] =	ssyncset.done @!p0 $0x0  }
0x10b: {  	[sflag:s0] =	ssyncadd.s32 @!p0 s1  }
0x10c: {  	[bflag:$0x3] =	sbarrier.arrive $0xFFFF  }
0x10d: {  	_ =	shalt  }

// kernel: kernel.8.cloned.1.call-start
scs
__scs_entry_jumppad:
0x0: {  	(pc) =	sbr.rel $0x88, $3  }
0x1: {  	(tag) =	ssettag $0x0;
	lr =	simm.s32 $0x1  }
0x2: {  	[smem:$0x3F9C] =	sst lr;
	_ =	strace $0xD0000000  }
0x3: {  	_ = 	snop  }
0x4: {  	_ = 	snop  }
0x5: {  	_ = 	snop  }
0x6: {  	_ = 	snop  }
0x7: {  	_ = 	snop  }
__scs_overlays_trampoline_lowered:
0x8: {  	[smem:$0x3FAB] =	sst s0  }
0x9: {  	[smem:$0x3FAC] =	sst s1  }
0xa: {  	[smem:$0x3FAD] =	sst s2  }
0xb: {  	[smem:$0x3FAE] =	sst s3  }
0xc: {  	[smem:$0x3FAF] =	sst s4  }
0xd: {  	[smem:$0x3FB0] =	sst s5  }
0xe: {  	[smem:$0x3FB1] =	sst s6  }
0xf: {  	[smem:$0x3FB2] =	sst s7  }
0x10: {  	[smem:$0x3FB3] =	sst s8  }
0x11: {  	[smem:$0x3FB4] =	sst s9;
	s0 =	simm.s32 @!p0 $0x0  }
0x12: {  	s1 =	sld [smem:$0x3F9A];
	s0 =	simm.s32 @p0 $0x1  }
0x13: {  	[smem:$0x3FB5] =	sst s0;
	s0 =	simm.s32 @!p1 $0x0  }
0x14: {  	s2 =	sld [smem:$0x3F99];
	s0 =	simm.s32 @p1 $0x1  }
0x15: {  	[smem:$0x3FB6] =	sst s0;
	s0 =	simm.s32 @!p2 $0x0  }
0x16: {  	s3 =	sld [smem:$0x3FDB];
	s0 =	simm.s32 @p2 $0x1  }
0x17: {  	s4 =	simm.s32 $0x1BF5;
	[smem:$0x3FB8] =	sst s0  }
0x18: {  	s0 =	sld [smem:$0x3F9B];
	_ =	swait.ge [sflag:s4], $0x0  }
0x19: {  	s7 =	sld [smem:$0x3F9C]  }
0x1a: {  	s8 =	sadd.s32 $0xFFFFE003, lr  }
0x1b: {  	s9 =	sadd.s32 $0xFFFFFEF7, lr;
	s5 =	simm.s32 $0xFFFFFFFF;
	p2 =	slt.u32 s8, $0xFFFFF086  }
0x1c: {  	p1 =	slt.u32 s9, $0xF7A;
	s5 =	simm.s32 @!p2 $0x0  }
0x1d: {  	s5 =	simm.s32 @p1 $0x1;
	p0 =	seq.s32 s7, s2  }
0x1e: {  	s7 =	smul.u32 @!p0 $0xF7A, s2;
	p2 =	seq.s32 @!p0 s5, $0x0  }
0x1f: {  	s9 =	smul.u32 $0xF7A, s1;
	s8 =	simm.s32 @!p0 $0x1BF5;
	p2 =	por !p2, p0  }
0x20: {  	[sflag:s8] =	ssyncset.s32 @!p0 $0xFFFFF086;
	s6 =	sadd.s32 @!p0 s3, s7;
	s7 =	simm.s32 @!p0 $0x108  }
0x21: {  	s3 =	sadd.s32 s3, s9;
	s6 =	sadd.s32 @!p0 $0x88, s6;
	s7 =	simm.s32 @p2 $0x1082  }
0x22: {  	[simem:s7], [sflag:s8] =	dma.local @!p0 [hbm:s6], $0xF7A  }
0x23: {  	s9 =	sor.u32 $0xD0000000, s2;
	s6 =	simm.s32 $0x108;
	_ =	swait.ge @!p0 [sflag:s8], $0x0  }
0x24: {  	s3 =	sadd.s32 $0x88, s3;
	s6 =	simm.s32 @!p1 $0x1082;
	[sflag:s4] =	ssyncset.s32 $0xFFFFF086  }
0x25: {  	[simem:s6], [sflag:s4] =	dma.local [hbm:s3], $0xF7A  }
0x26: {  	[smem:$0x3F9C] =	sst s1;
	(tag) =	ssettag s2;
	_ =	strace s9  }
0x27: {  	s1 =	sld [smem:$0x3FAC]  }
0x28: {  	s2 =	sld [smem:$0x3FAD]  }
0x29: {  	s4 =	sld [smem:$0x3FAF]  }
0x2a: {  	p0 =	seq.s32 s5, $0x0;
	s5 =	sld [smem:$0x3FB0]  }
0x2b: {  	s6 =	sld [smem:$0x3FB1]  }
0x2c: {  	s7 =	sld [smem:$0x3FB2]  }
0x2d: {  	s3 =	simm.s32 $0x108;
	s8 =	sld [smem:$0x3FB3]  }
0x2e: {  	s3 =	simm.s32 @!p0 $0x1082;
	s9 =	sld [smem:$0x3FB4]  }
0x2f: {  	lr =	sadd.s32 s0, s3;
	s0 =	sld [smem:$0x3FAB]  }
0x30: {  	s3 =	sld [smem:$0x3FAE]  }
0x31: {  	[smem:$0x3FB7] =	sst s10  }
0x32: {  	s10 =	sld [smem:$0x3FB5];
	_ =	sdelay $0x3  }
0x33: {  	p0 =	seq.s32 s10, $0x1;
	s10 =	sld [smem:$0x3FB7];
	_ =	sdelay $0x3  }
0x34: {  	[smem:$0x3FB7] =	sst s10  }
0x35: {  	s10 =	sld [smem:$0x3FB6];
	_ =	sdelay $0x3  }
0x36: {  	p1 =	seq.s32 s10, $0x1;
	s10 =	sld [smem:$0x3FB7];
	_ =	sdelay $0x3  }
0x37: {  	[smem:$0x3FB7] =	sst s10  }
0x38: {  	s10 =	sld [smem:$0x3FB8]  }
0x39: {  	_ = 	snop;
	(pc) =	sbr.ind lr, $3  }
0x3a: {  	_ = 	snop  }
0x3b: {  	_ = 	snop  }
0x3c: {  	p2 =	seq.s32 s10, $0x1;
	s10 =	sld [smem:$0x3FB7]  }
0x3d: {  	_ =	shalt  }
0x3e: {  	_ =	shalt  }
0x3f: {  	_ =	shalt  }
0x40: {  	_ =	shalt  }
0x41: {  	_ =	shalt  }
0x42: {  	_ =	shalt  }
0x43: {  	_ =	shalt  }
0x44: {  	_ =	shalt  }
0x45: {  	_ =	shalt  }
0x46: {  	_ =	shalt  }
0x47: {  	_ =	shalt  }
0x48: {  	_ =	shalt  }
0x49: {  	_ =	shalt  }
0x4a: {  	_ =	shalt  }
0x4b: {  	_ =	shalt  }
0x4c: {  	_ =	shalt  }
0x4d: {  	_ =	shalt  }
0x4e: {  	_ =	shalt  }
0x4f: {  	_ =	shalt  }
0x50: {  	_ =	shalt  }
0x51: {  	_ =	shalt  }
0x52: {  	_ =	shalt  }
0x53: {  	_ =	shalt  }
0x54: {  	_ =	shalt  }
0x55: {  	_ =	shalt  }
0x56: {  	_ =	shalt  }
0x57: {  	_ =	shalt  }
0x58: {  	_ =	shalt  }
0x59: {  	_ =	shalt  }
0x5a: {  	_ =	shalt  }
0x5b: {  	_ =	shalt  }
0x5c: {  	_ =	shalt  }
0x5d: {  	_ =	shalt  }
0x5e: {  	_ =	shalt  }
0x5f: {  	_ =	shalt  }
0x60: {  	_ =	shalt  }
0x61: {  	_ =	shalt  }
0x62: {  	_ =	shalt  }
0x63: {  	_ =	shalt  }
0x64: {  	_ =	shalt  }
0x65: {  	_ =	shalt  }
0x66: {  	_ =	shalt  }
0x67: {  	_ =	shalt  }
0x68: {  	_ =	shalt  }
0x69: {  	_ =	shalt  }
0x6a: {  	_ =	shalt  }
0x6b: {  	_ =	shalt  }
0x6c: {  	_ =	shalt  }
0x6d: {  	_ =	shalt  }
0x6e: {  	_ =	shalt  }
0x6f: {  	_ =	shalt  }
0x70: {  	_ =	shalt  }
0x71: {  	_ =	shalt  }
0x72: {  	_ =	shalt  }
0x73: {  	_ =	shalt  }
0x74: {  	_ =	shalt  }
0x75: {  	_ =	shalt  }
0x76: {  	_ =	shalt  }
0x77: {  	_ =	shalt  }
0x78: {  	_ =	shalt  }
0x79: {  	_ =	shalt  }
0x7a: {  	_ =	shalt  }
0x7b: {  	_ =	shalt  }
0x7c: {  	_ =	shalt  }
0x7d: {  	_ =	shalt  }
0x7e: {  	_ =	shalt  }
0x7f: {  	_ =	shalt  }
0x80: {  	_ =	shalt  }
0x81: {  	_ =	shalt  }
0x82: {  	_ =	shalt  }
0x83: {  	_ =	shalt  }
0x84: {  	_ =	shalt  }
0x85: {  	_ =	shalt  }
0x86: {  	_ =	shalt  }
0x87: {  	_ =	shalt  }
.Lfunc_end0:
.L_simem_size_0:
called_computation.1_lowered:
.L_overlay_start_0:
0x88: {  	s2 =	sld [smem:$0x3FD9]  }
0x89: {  	s3 =	sld [smem:$0x3FFE];
	_ =	sdelay $0x1  }
0x8a: {  	s1 =	srdreg.scid  }
0x8b: {  	s0 =	sand.u32 $0x1, s1  }
0x8c: {  	s17 =	sshll.u32 s0, $0xA;
	s2 =	sadd.s32 s3, s2  }
0x8d: {  	s2 =	sadd.s32 s2, s17  }
0x8e: {  	[smem:$0x3FC3] =	sst s2  }
0x8f: {  	_ = 	snop  }
0x90: {  	s2 =	sld [smem:$0x3FD0];
	(tm) =	ssettm $0x1  }
0x91: {  	s18 =	sld [smem:$0x3FFB];
	_ =	sdelay $0x3  }
0x92: {  	_ =	strace s18  }
0x93: {  	s3 =	sld [smem:$0x3FFC];
	_ =	sdelay $0x3  }
0x94: {  	_ =	strace s3  }
0x95: {  	s3 =	sld [smem:$0x3FFD];
	_ =	sdelay $0x3  }
0x96: {  	_ =	strace s3  }
0x97: {  	_ =	strace $0x8FFFFFFF  }
0x98: {  	s19 =	sld [smem:$0x3FDB];
	_ =	sdelay $0x1  }
0x99: {  	s4 =	simm.s32 $_scs_section_size  }
0x9a: {  	s5 =	simm.s32 $_size__tile_overlayer_lowered;
	s6 =	simm.s32 $_tile_overlayer_lowered  }
0x9b: {  	s22 =	simm.s32 $0x1BFF;
	s21 =	sshll.u32 s6, $0x1;
	s3 =	sadd.s32 s4, s19  }
0x9c: {  	s7 =	simm.s32 $0x0;
	s20 =	sshll.u32 s5, $0x1;
	s5 =	sadd.s32 s21, s3  }
0x9d: {  	[timem:s7], [sflag:s22] =	dma.local [hbm:s5], s20  }
0x9e: {  	_ =	swait.ge [sflag:s22], s20  }
0x9f: {  	s4 =	ssub.s32 $0x0, s20;
	[sflag:s22] =	ssyncset.done $0x0  }
0xa0: {  	[sflag:s22] =	ssyncadd.s32 s4;
	_ =	sdelay $0x1  }
0xa1: {  	s23 =	simm.s32 $0x1B8B  }
0xa2: {  	_ =	swait.ge [sflag:s23], $0x1  }
0xa3: {  	[sflag:s23] =	ssyncset.done $0x0  }
0xa4: {  	s25 =	simm.s32 $0x1B8E;
	s24 =	sld [smem:$0x3FFE];
	[sflag:s23] =	ssyncadd.s32 $0xFFFFFFFF  }
0xa5: {  	s26 =	simm.s32 $execute0_lowered;
	[smem:$0x3FD2] =	sst s25  }
0xa6: {  	s5 =	sshll.u32 s26, $0x1;
	_ =	strace $0x80000046;
	[dreg:$0x1] =	wrdreg $0xFFFFFFFF  }
0xa7: {  	s28 =	simm.s32 $_size_execute0_lowered;
	s3 =	sadd.s32 s3, s5;
	[dreg:$0x0] =	wrdreg $0x0  }
0xa8: {  	s5 =	sshll.u32 s28, $0x1;
	[dreg:$0x2] =	wrdreg s3  }
0xa9: {  	[dreg:$0x3] =	wrdreg s5  }
0xaa: {  	[dreg:$0x4] =	wrdreg $0xC0  }
0xab: {  	_ =	task [dreg:s7], $0x5FFFF  }
0xac: {  	[dreg:$0x1] =	wrdreg $0xFFFFFFFF  }
0xad: {  	[dreg:$0x0] =	wrdreg $0x60  }
0xae: {  	[dreg:$0x2] =	wrdreg s2  }
0xaf: {  	[dreg:$0x3] =	wrdreg s24  }
0xb0: {  	[dreg:$0x4] =	wrdreg $0x12000  }
0xb1: {  	[dreg:$0x5] =	wrdreg $0xA  }
0xb2: {  	_ =	task.clear_ibuf [dreg:s7], $0x6FFFF;
	_ =	strace $0x90000046  }
0xb3: {  	s29 =	simm.s32 $0xA;
	_ =	strace $0x80000048  }
0xb4: {  	_ =	swait.ge [sflag:s29], $0x1  }
0xb5: {  	[sflag:s29] =	ssyncadd.s32 $0xFFFFFFFF  }
0xb6: {  	_ =	strace $0x90000048  }
0xb7: {  	_ =	sfence  }
0xb8: {  	s30 =	sld [smem:$0x0];
	_ =	sdelay $0x2  }
0xb9: {  	s31 =	sshll.u32 s1, $0xD;
	s1 =	sshrl.u32 s1, $0x2  }
0xba: {  	s3 =	sand.u32 $0x4000, s31;
	s1 =	sadd.s32 s1, s30  }
0xbb: {  	s0 =	sor.u32 s3, s0;
	s1 =	sshll.u32 s1, $0x11  }
0xbc: {  	s0 =	sor.u32 s1, s0  }
0xbd: {  	s0 =	sadd.s32 $0x8F2B, s0  }
0xbe: {  	[sflag:s0] =	ssyncadd.remote.s32 $0x1  }
0xbf: {  	_ =	sfence.sel $0xFFFF  }
0xc0: {  	[dreg:$0x0] =	wrdreg $0xFFFFFFFF;
	(pc) =	sbr.abs _section_cstart, $3  }
0xc1: {  	[dreg:$0x1] =	wrdreg $0xFFFFFFFF  }
0xc2: {  	_ =	task.clear_ibuf [dreg:s7], $0x2FFFF;
	_ =	strace $0x9FFFFFFF  }
0xc3: {  	(tm) =	ssettm $0x7FFFFFFF  }
tec
execute0_lowered:
.L_overlay_start_1:
0x0: {  	(tag) =	ssettag $0x1  }
0x1: {  	s0 =	rddreg [dreg:$0x0]  }
0x2: {  	s2 =	rddreg [dreg:$0x1]  }
0x3: {  	s1 =	rddreg [dreg:$0x2];
	s3 =	simm.s32 $0x0;
	s4 =	srdreg.scid  }
0x4: {  	s16 =	stileid.u32;
	s28 =	simm.s32 $0xA00;
	s29 =	simm.s32 $0x9  }
0x5: {  	s30 =	simm.s32 $0x80;
	s31 =	simm.s32 $0x100;
	[smem:$0x7FF] =	sst s3  }
0x6: {  	s7 =	sand.u32 $0x1, s4;
	s8 =	sshll.u32 s16, $0x1;
	s6 =	smul.u32 $0xA000, s16  }
0x7: {  	s2 =	sadd.s32 $0x1800, s2;
	s15 =	smul.u32 $0x2800, s16;
	p0 =	sgt.u32 s16, $0x1  }
0x8: {  	_ =	strace $0x80000047;
	s5 =	ssub.s32 $0x2, s7;
	s4 =	sor.u32 s7, s8  }
0x9: {  	s7 =	smul.u32 $0x28000, s7;
	s9 =	sshrl.u32 s5, $0x1;
	s13 =	sshrl.u32 s6, $0x2  }
0xa: {  	s14 =	sshll.u32 s4, $0x4;
	s6 =	sadd.s32 $0x9C40, s0;
	s10 =	sor.u32 $0x80, s4  }
0xb: {  	s11 =	sor.u32 $0xA0, s4;
	s22 =	sadd.s32 s15, s1;
	s23 =	sadd.s32 $0x800, s15  }
0xc: {  	s20 =	sadd.s32 $0x1000, s15;
	s21 =	sadd.s32 $0x1800, s15;
	s12 =	ssub.s32 s5, s9  }
0xd: {  	s5 =	sadd.s32 s13, s1;
	s0 =	sadd.s32 s14, s0;
	s9 =	sadd.s32 s14, s6  }
0xe: {  	[dreg:$0x6] =	wrdreg s22;
	s17 =	sadd.s32 s7, s15;
	s13 =	sadd.s32 s7, s23  }
0xf: {  	s24 =	sadd.s32 s7, s20;
	s22 =	sadd.s32 s23, s1;
	s23 =	sadd.s32 s20, s1  }
0x10: {  	[dreg:$0x4] =	wrdreg s9;
	s0 =	sadd.s32 $0x9E40, s0;
	s9 =	ssub.s32 $0x9C4, s8  }
0x11: {  	s12 =	smax.u32 s12, $0x1;
	s14 =	sadd.s32 $0x800, s5;
	[dreg:$0x5] =	wrdreg s0  }
0x12: {  	s13 =	sshrl.u32 s13, $0x3;
	s18 =	sadd.s32 $0x1000, s5;
	[dreg:$0x7] =	wrdreg s12  }
0x13: {  	s26 =	sadd.s32 $0x1800, s5;
	s8 =	simm.s32 $0x8;
	[dreg:$0x8] =	wrdreg s14  }
0x14: {  	s12 =	sshrl.u32 s17, $0x3;
	[dreg:$0x9] =	wrdreg s18;
	s19 =	sadd.s32 s2, s13  }
0x15: {  	s0 =	sadd.s32 $0x2000, s15;
	s15 =	sadd.s32 s7, s21;
	s14 =	sshrl.u32 s24, $0x3  }
0x16: {  	[dreg:$0xf] =	wrdreg s26;
	s24 =	sadd.s32 s21, s1;
	s21 =	smov.u32 s5  }
0x17: {  	s26 =	sadd.s32 $0x2000, s5;
	s13 =	simm.s32 $0x6;
	s12 =	sadd.s32 s2, s12  }
0x18: {  	[dreg:$0xb] =	wrdreg s19;
	s7 =	sadd.s32 s7, s0;
	s15 =	sshrl.u32 s15, $0x3  }
.Ltmp0:
0x19: {  	s14 =	sadd.s32 s2, s14;
	[dreg:$0xa] =	wrdreg s12;
	(pc) =	sbr.rel .LBB2_1-.Ltmp0, $4  }
0x1a: {  	s7 =	sshrl.u32 s7, $0x3;
	[dreg:$0xc] =	wrdreg s14;
	s25 =	sadd.s32 s2, s15  }
0x1b: {  	s12 =	simm.s32 $0x5;
	s14 =	simm.s32 $0x0;
	[dreg:$0xd] =	wrdreg s25  }
0x1c: {  	s2 =	sadd.s32 s2, s7;
	s25 =	sadd.s32 s0, s1;
	s0 =	simm.s32 $0x2  }
0x1d: {  	v0 =	vimm.f32 $1.000000000e+00;
	v1 =	vimm.f32 $0.0e+00;
	s7 =	simm.s32 $0x3;
	[dreg:$0xe] =	wrdreg s2;
	s2 =	simm.s32 $0x200  }
.LBB2_6:
0x1e: {  	_ =	swait.ge [sflag:s8], $0x800  }
0x1f: {  	[sflag:s8] =	ssyncset.done $0x0  }
0x20: {  	[sflag:s8] =	ssyncadd.s32 $0xFFFFF800  }
0x21: {  	_ =	swait.ge [sflag:s12], $0x800  }
0x22: {  	[sflag:s12] =	ssyncset.done $0x0  }
0x23: {  	[sflag:s12] =	ssyncadd.s32 $0xFFFFF800  }
0x24: {  	_ =	swait.ge [sflag:s13], $0x800  }
0x25: {  	[sflag:s13] =	ssyncset.done $0x0  }
0x26: {  	s5 =	simm.s32 @!p0 $0x7;
	[sflag:s13] =	ssyncadd.s32 $0xFFFFF800  }
0x27: {  	_ =	swait.ge @!p0 [sflag:s5], $0x800  }
0x28: {  	[sflag:s5] =	ssyncset.done @!p0 $0x0  }
0x29: {  	[sflag:s5] =	ssyncadd.s32 @!p0 $0xFFFFF800  }
0x2a: {  	[bflag:$0x0] =	sbarrier.arrive $0xFFFF  }
0x2b: {  	s20 =	rddreg [dreg:$0x6]  }
0x2c: {  	[tilespmem:s28], [sflag:$0x9] =	stream.linear.gather [spmem:s20], $0x800, $0x38;
	[tilespmem:$0x3A00] =	vst v63  }
0x2d: {  	_ =	swait.ge [sflag:s29], $0x800  }
0x2e: {  	[sflag:s29] =	ssyncset.done $0x0  }
0x2f: {  	s15 =	rddreg [dreg:$0xa];
	[sflag:s29] =	ssyncadd.s32 $0xFFFFF800  }
0x30: {  	[hbm4b:s15+s3] =	stream.linear.scatter [tilespmem:s28], [sflag:$0x9], $0x800, $0x38;
	[tilespmem:$0x3A00] =	vst v63  }
0x31: {  	_ =	swait.ge [sflag:s29], $0x800  }
0x32: {  	[sflag:s29] =	ssyncset.done $0x0  }
0x33: {  	[sflag:s29] =	ssyncadd.s32 $0xFFFFF800  }
0x34: {  	[tilespmem:s28], [sflag:$0x9] =	stream.linear.gather [spmem:s22], $0x800, $0x38;
	[tilespmem:$0x3A00] =	vst v63  }
0x35: {  	_ =	swait.ge [sflag:s29], $0x800  }
0x36: {  	[sflag:s29] =	ssyncset.done $0x0  }
0x37: {  	s16 =	rddreg [dreg:$0xb];
	[sflag:s29] =	ssyncadd.s32 $0xFFFFF800  }
0x38: {  	[hbm4b:s16+s3] =	stream.linear.scatter [tilespmem:s28], [sflag:$0x9], $0x800, $0x38;
	[tilespmem:$0x3A00] =	vst v63  }
0x39: {  	_ =	swait.ge [sflag:s29], $0x800  }
0x3a: {  	[sflag:s29] =	ssyncset.done $0x0  }
0x3b: {  	[sflag:s29] =	ssyncadd.s32 $0xFFFFF800  }
0x3c: {  	[tilespmem:s28], [sflag:$0x9] =	stream.linear.gather [spmem:s23], $0x800, $0x38;
	[tilespmem:$0x3A00] =	vst v63  }
0x3d: {  	_ =	swait.ge [sflag:s29], $0x800  }
0x3e: {  	[sflag:s29] =	ssyncset.done $0x0  }
0x3f: {  	s17 =	rddreg [dreg:$0xc];
	[sflag:s29] =	ssyncadd.s32 $0xFFFFF800  }
0x40: {  	[hbm4b:s17+s3] =	stream.linear.scatter [tilespmem:s28], [sflag:$0x9], $0x800, $0x38;
	[tilespmem:$0x3A00] =	vst v63  }
0x41: {  	_ =	swait.ge [sflag:s29], $0x800  }
0x42: {  	[sflag:s29] =	ssyncset.done $0x0  }
0x43: {  	[sflag:s29] =	ssyncadd.s32 $0xFFFFF800  }
0x44: {  	[tilespmem:s28], [sflag:$0x9] =	stream.linear.gather [spmem:s24], $0x800, $0x38;
	[tilespmem:$0x3A00] =	vst v63  }
0x45: {  	_ =	swait.ge [sflag:s29], $0x800  }
0x46: {  	[sflag:s29] =	ssyncset.done $0x0  }
0x47: {  	s18 =	rddreg [dreg:$0xd];
	[sflag:s29] =	ssyncadd.s32 $0xFFFFF800  }
0x48: {  	[hbm4b:s18+s3] =	stream.linear.scatter [tilespmem:s28], [sflag:$0x9], $0x800, $0x38;
	[tilespmem:$0x3A00] =	vst v63  }
0x49: {  	_ =	swait.ge [sflag:s29], $0x800  }
0x4a: {  	[sflag:s29] =	ssyncset.done $0x0  }
0x4b: {  	[sflag:s29] =	ssyncadd.s32 $0xFFFFF800  }
0x4c: {  	[tilespmem:s28], [sflag:$0x9] =	stream.linear.gather [spmem:s25], $0x800, $0x38;
	[tilespmem:$0x3A00] =	vst v63  }
0x4d: {  	_ =	swait.ge [sflag:s29], $0x800  }
0x4e: {  	[sflag:s29] =	ssyncset.done $0x0  }
0x4f: {  	s19 =	rddreg [dreg:$0xe];
	[sflag:s29] =	ssyncadd.s32 $0xFFFFF800  }
0x50: {  	[hbm4b:s19+s3] =	stream.linear.scatter [tilespmem:s28], [sflag:$0x9], $0x800, $0x38;
	[tilespmem:$0x3A00] =	vst v63  }
0x51: {  	_ =	swait.ge [sflag:s29], $0x800  }
0x52: {  	s14 =	sadd.s32 $0x1, s14;
	s20 =	rddreg [dreg:$0x7]  }
0x53: {  	p1 =	sne.s32 s14, s20  }
.Ltmp1:
0x54: {  	_ = 	snop;
	(pc) =	sbr.rel @!p1 .LBB2_7-.Ltmp1, $3  }
0x55: {  	_ =	sdelay $0x1  }
0x56: {  	[sflag:s29] =	ssyncset.done $0x0  }
0x57: {  	[sflag:s29] =	ssyncadd.s32 $0xFFFFF800  }
.LBB2_1:
0x58: {  	s15 =	simm.s32 $0x40;
	s16 =	simm.s32 $0x0  }
.LBB2_2:
0x59: {  	p1 =	sne.s32 s15, $0x1FC0;
	[tilespmem:s16+$0x200] =	vst v0;
	s17 =	smov.u32 s15;
	s15 =	sadd.s32 $0x40, s15  }
.Ltmp2:
0x5a: {  	[tilespmem:s16+$0xA00] =	vst v1;
	(pc) =	sbr.rel @p1 .LBB2_2-.Ltmp2, $2  }
0x5b: {  	_ =	sdelay $0x2  }
0x5c: {  	s16 =	sshra.s32 s17, $0x2  }
0x5d: {  	[tilespmem:s16+$0x200] =	vst v0  }
0x5e: {  	[tilespmem:s16+$0xA00] =	vst v1  }
0x5f: {  	[spmem:s21] =	stream.linear.scatter [tilespmem:s28], [sflag:$0x9], $0x800, $0x38;
	[tilespmem:$0x3A00] =	vst v63  }
0x60: {  	_ =	swait.ge [sflag:s29], $0x800  }
0x61: {  	[sflag:s29] =	ssyncset.done $0x0  }
0x62: {  	s5 =	rddreg [dreg:$0x8];
	[sflag:s29] =	ssyncadd.s32 $0xFFFFF800  }
0x63: {  	[spmem:s5] =	stream.linear.scatter [tilespmem:s28], [sflag:$0x9], $0x800, $0x38;
	[tilespmem:$0x3A00] =	vst v63  }
0x64: {  	_ =	swait.ge [sflag:s29], $0x800  }
0x65: {  	[sflag:s29] =	ssyncset.done $0x0  }
0x66: {  	s17 =	rddreg [dreg:$0x9];
	[sflag:s29] =	ssyncadd.s32 $0xFFFFF800  }
0x67: {  	[spmem:s17] =	stream.linear.scatter [tilespmem:s28], [sflag:$0x9], $0x800, $0x38;
	[tilespmem:$0x3A00] =	vst v63  }
0x68: {  	_ =	swait.ge [sflag:s29], $0x800  }
0x69: {  	[sflag:s29] =	ssyncset.done $0x0  }
0x6a: {  	s18 =	rddreg [dreg:$0xf];
	[sflag:s29] =	ssyncadd.s32 $0xFFFFF800  }
0x6b: {  	[spmem:s18] =	stream.linear.scatter [tilespmem:s28], [sflag:$0x9], $0x800, $0x38;
	[tilespmem:$0x3A00] =	vst v63  }
0x6c: {  	_ =	swait.ge [sflag:s29], $0x800  }
0x6d: {  	[sflag:s29] =	ssyncset.done $0x0  }
0x6e: {  	[sflag:s29] =	ssyncadd.s32 $0xFFFFF800  }
0x6f: {  	[spmem:s26] =	stream.linear.scatter [tilespmem:s28], [sflag:$0x9], $0x800, $0x38;
	[tilespmem:$0x3A00] =	vst v63  }
0x70: {  	_ =	swait.ge [sflag:s29], $0x800  }
0x71: {  	[sflag:s29] =	ssyncset.done $0x0  }
0x72: {  	[sflag:s29] =	ssyncadd.s32 $0xFFFFF800  }
0x73: {  	[bflag:$0x0] =	sbarrier.arrive $0xFFFF  }
0x74: {  	s15 =	simm.s32 $0x0;
	s19 =	rddreg [dreg:$0x4]  }
0x75: {  	[tilespmem:s15], [sflag:$0x9] =	stream.linear.gather [hbm4b:s19+s15], $0x80, $0x38;
	[tilespmem:$0x3A00] =	vst v63  }
0x76: {  	_ =	swait.ge [sflag:s29], $0x80  }
0x77: {  	[sflag:s29] =	ssyncset.done $0x0  }
0x78: {  	s16 =	simm.s32 $0x3;
	s20 =	rddreg [dreg:$0x5];
	[sflag:s29] =	ssyncadd.s32 $0xFFFFFF80  }
0x79: {  	[tilespmem:s30], [sflag:$0x2] =	stream.linear.gather [hbm4b:s20+s15], $0x80, $0x38;
	[tilespmem:$0x3A00] =	vst v63  }
.LBB2_4:
0x7a: {  	p2 =	sne.s32 s15, $0x0  }
0x7b: {  	s17 =	simm.s32 @p2 $0x1  }
0x7c: {  	_ =	swait.ge @p2 [sflag:s17], $0x80  }
0x7d: {  	s18 =	simm.s32 @p2 $0x0;
	[sflag:s17] =	ssyncset.done @p2 $0x0  }
0x7e: {  	s5 =	simm.s32 @p2 $0x200;
	[sflag:s17] =	ssyncadd.s32 @p2 $0xFFFFFF80;
	s17 =	simm.s32 @p2 $0x80  }
0x7f: {  	[spmem:s1] =	stream.indirect.scatter.add.f32 @p2 [tilespmem:s5], [sflag:$0x5], $0x10, s18, s17, $0xb8;
	[tilespmem:$0x3A00] =	vst v63  }
0x80: {  	s5 =	simm.s32 @p2 $0x7  }
0x81: {  	_ =	swait.ge @p2 [sflag:s5], $0x800  }
0x82: {  	s20 =	sadd.s32 $0x40, s15;
	s17 =	simm.s32 @!p2 $0x0;
	[sflag:s5] =	ssyncset.done @p2 $0x0  }
0x83: {  	s18 =	simm.s32 @!p2 $0x200;
	[sflag:s5] =	ssyncadd.s32 @p2 $0xFFFFF800;
	s5 =	simm.s32 @!p2 $0x80  }
0x84: {  	[spmem:s1] =	stream.indirect.scatter.add.f32 @!p2 [tilespmem:s18], [sflag:$0x5], $0x10, s17, s5, $0xb8;
	[tilespmem:$0x3A00] =	vst v63  }
0x85: {  	s17 =	sadd.s32 s4, s20  }
0x86: {  	p1 =	slt.s32 s17, $0x9C3  }
0x87: {  	s17 =	simm.s32 @!p1 $0x9C3  }
0x88: {  	s17 =	sshll.u32 s17, $0x4  }
0x89: {  	p1 =	sgt.u32 s16, $0x4E;
	s17 =	sadd.s32 s17, s6  }
0x8a: {  	[tilespmem:s31], [sflag:$0x3] =	stream.linear.gather [hbm4b:s17+s3], $0x80, $0x38;
	[tilespmem:$0x3A00] =	vst v63  }
0x8b: {  	s17 =	sadd.s32 @!p1 s15, s4  }
0x8c: {  	p3 =	seq.s32 @!p1 s15, $0x0;
	_ =	swait.ge [sflag:s0], $0x80;
	s17 =	sadd.s32 @!p1 $0x60, s17  }
0x8d: {  	p3 =	por p3, p1;
	[sflag:s0] =	ssyncset.done $0x0;
	p4 =	slt.s32 @!p1 s17, $0x9C3  }
0x8e: {  	s18 =	simm.s32 @!p3 $0x8;
	[sflag:s0] =	ssyncadd.s32 $0xFFFFFF80;
	p4 =	por !p4, p1  }
0x8f: {  	[spmem:s1] =	stream.indirect.scatter.add.f32 [tilespmem:s2], [sflag:$0x6], $0x10, s30, s30, $0xb8;
	[tilespmem:$0x3A00] =	vst v63  }
0x90: {  	s17 =	simm.s32 @p4 $0x9C3;
	_ =	swait.ge @!p3 [sflag:s18], $0x800  }
0x91: {  	s19 =	simm.s32 @!p1 $0x180;
	s17 =	sshll.u32 @!p1 s17, $0x4;
	[sflag:s18] =	ssyncset.done @!p3 $0x0  }
0x92: {  	[sflag:s18] =	ssyncadd.s32 @!p3 $0xFFFFF800;
	s18 =	sadd.s32 @!p1 s17, s6;
	s17 =	simm.s32 @!p1 $0x0  }
0x93: {  	[tilespmem:s19], [sflag:$0x4] =	stream.linear.gather @!p1 [hbm4b:s18+s17], $0x80, $0x38;
	[tilespmem:$0x3A00] =	vst v63  }
0x94: {  	p3 =	sge.u32 s20, s9;
	_ =	swait.ge [sflag:s7], $0x80  }
0x95: {  	s5 =	simm.s32 @!p3 $0x80;
	[sflag:s7] =	ssyncset.done $0x0  }
0x96: {  	s18 =	simm.s32 @!p3 $0x100;
	s19 =	simm.s32 @!p3 $0x200;
	[sflag:s7] =	ssyncadd.s32 $0xFFFFFF80  }
0x97: {  	[spmem:s1] =	stream.indirect.scatter.add.f32 @!p3 [tilespmem:s19], [sflag:$0x7], $0x10, s18, s5, $0xb8;
	[tilespmem:$0x3A00] =	vst v63  }
0x98: {  	p3 =	seq.s32 s15, $0x980  }
.Ltmp3:
0x99: {  	_ = 	snop;
	(pc) =	sbr.rel @p3 .LBB2_6-.Ltmp3, $1  }
0x9a: {  	_ =	sdelay $0x3  }
0x9b: {  	s5 =	smov.u32 s15  }
0x9c: {  	s5 =	simm.s32 @!p2 $0x0  }
0x9d: {  	s18 =	sadd.s32 s10, s5  }
0x9e: {  	p2 =	slt.s32 s18, $0x9C3  }
0x9f: {  	_ =	swait.ge [sflag:s12], $0x800;
	s18 =	simm.s32 @!p2 $0x9C3  }
0xa0: {  	[sflag:s12] =	ssyncset.done $0x0;
	s18 =	sshll.u32 s18, $0x4  }
0xa1: {  	s19 =	sadd.s32 @!p1 $0x60, s15;
	[sflag:s12] =	ssyncadd.s32 $0xFFFFF800;
	s18 =	sadd.s32 s18, s6  }
0xa2: {  	[tilespmem:s3], [sflag:$0x1] =	stream.linear.gather [hbm4b:s18+s3], $0x80, $0x38;
	[tilespmem:$0x3A00] =	vst v63  }
0xa3: {  	p2 =	sge.u32 @!p1 s19, s9;
	s18 =	simm.s32 @!p1 $0x4  }
0xa4: {  	p2 =	por p2, p1;
	_ =	swait.ge @!p1 [sflag:s18], $0x80  }
0xa5: {  	s5 =	sadd.s32 @!p1 s11, s5;
	s19 =	simm.s32 @!p2 $0x180;
	[sflag:s18] =	ssyncset.done @!p1 $0x0  }
0xa6: {  	s20 =	simm.s32 @!p2 $0x200;
	[sflag:s18] =	ssyncadd.s32 @!p1 $0xFFFFFF80;
	s18 =	simm.s32 @!p2 $0x80  }
0xa7: {  	[spmem:s1] =	stream.indirect.scatter.add.f32 @!p2 [tilespmem:s20], [sflag:$0x8], $0x10, s19, s18, $0xb8;
	[tilespmem:$0x3A00] =	vst v63  }
0xa8: {  	p2 =	slt.s32 @!p1 s5, $0x9C3  }
.Ltmp4:
0xa9: {  	s18 =	simm.s32 @!p1 $0x6;
	p2 =	por !p2, p1;
	(pc) =	sbr.rel .LBB2_4-.Ltmp4, $4  }
0xaa: {  	s15 =	sadd.s32 $0x80, s15;
	_ =	swait.ge @!p1 [sflag:s18], $0x800;
	s5 =	simm.s32 @p2 $0x9C3  }
0xab: {  	s16 =	sadd.s32 $0x4, s16;
	[sflag:s18] =	ssyncset.done @!p1 $0x0;
	s5 =	sshll.u32 @!p1 s5, $0x4  }
0xac: {  	[sflag:s18] =	ssyncadd.s32 @!p1 $0xFFFFF800;
	s18 =	simm.s32 @!p1 $0x80;
	s5 =	sadd.s32 @!p1 s5, s6  }
0xad: {  	[tilespmem:s18], [sflag:$0x2] =	stream.linear.gather @!p1 [hbm4b:s5+s17], $0x80, $0x38;
	[tilespmem:$0x3A00] =	vst v63  }
.LBB2_7:
0xae: {  	_ =	sfence.sel $0x180000  }
0xaf: {  	[bflag:$0x0] =	sbarrier.arrive $0xFFFF  }
0xb0: {  	_ =	strace $0x90000047  }
0xb1: {  	s0 =	stileid.u32;
	[bflag:$0x2] =	sbarrier.arrive $0xFFFF  }
0xb2: {  	p0 =	sne.s32 s0, $0x0;
	s0 =	rddreg [dreg:$0x3]  }
0xb3: {  	s0 =	sadd.s32 @!p0 $0x100000, s0  }
0xb4: {  	[sflag:s0] =	ssyncadd.tile.s32 @!p0 $0x1;
	_ =	shalt  }
.Lfunc_end2:
_tile_overlayer_lowered:
.L_overlay_start_2:
0xb5: {  	(tag) =	ssettag $0x2  }
0xb6: {  	s0 =	rddreg [dreg:$0x0];
	s2 =	stileid.u32  }
0xb7: {  	s1 =	rddreg [dreg:$0x1];
	p0 =	sne.s32 s2, $0x0  }
0xb8: {  	s3 =	rddreg [dreg:$0x2];
	[bflag:$0x3] =	sbarrier.arrive $0xFFFF;
	s2 =	simm.s32 @!p0 $0x1C09  }
0xb9: {  	[timem:s3], [sflag:s2] =	dma.local @!p0 [hbm:s0], s1  }
0xba: {  	s0 =	simm.s32 @!p0 $0x9  }
0xbb: {  	_ =	swait.ge @!p0 [sflag:s0], s1  }
0xbc: {  	s1 =	ssub.s32 @!p0 $0x0, s1;
	[sflag:s0] =	ssyncset.done @!p0 $0x0  }
0xbd: {  	[sflag:s0] =	ssyncadd.s32 @!p0 s1  }
0xbe: {  	[bflag:$0x3] =	sbarrier.arrive $0xFFFF  }
0xbf: {  	_ =	shalt  }

</sc_bundles>
